<compile_context>
chip_gen: v7x
topology: tpu7x:2x2x1
jax: 0.10.2.dev20260603
libtpu: 0.0.44.dev20260713+nightly
codegen_flags: <defaults>
</compile_context>

<pallas_src>
import functools

import jax
import jax.numpy as jnp
from jax import lax
from jax.experimental import pallas as pl
from jax.experimental.pallas import tpu as pltpu
from jax.experimental.pallas import tpu_sc as plsc

P = 16
THRESH = 12
L = 16
NC = 2
NS = 16


def _sc_body(K, M, D, npw, prev_hbm, flags_hbm, idx_hbm, idxt_hbm, w_hbm,
             b_hbm, out_hbm, act_hbm,
             flags_v, idx_v, idxt_v, w_v, b_v, rows_v, out_v, act_v, wm_v,
             sem0, sem1):
    wid = lax.axis_index("s") * NC + lax.axis_index("c")
    base = wid * npw

    pltpu.sync_copy(flags_hbm, flags_v)
    pltpu.sync_copy(idx_hbm.at[pl.ds(base, npw)], idx_v)
    pltpu.sync_copy(idxt_hbm.at[wid], idxt_v)
    pltpu.sync_copy(w_hbm.at[pl.ds(base, npw)], w_v)
    pltpu.sync_copy(b_hbm.at[pl.ds(base, npw)], b_v)

    def act_chunk(t, _):
        off = t * L
        cnt = jnp.zeros((L,), jnp.int32)
        for p in range(P):
            cnt = cnt + plsc.load_gather(flags_v, [idxt_v[p, pl.ds(off, L)]])
        act_v[pl.ds(off, L)] = (cnt >= THRESH).astype(jnp.int32)
        return 0

    lax.fori_loop(0, npw // L, act_chunk, 0, unroll=False)

    sems = (sem0, sem1)

    def gather_start(i, buf):
        pltpu.make_async_copy(prev_hbm.at[idx_v.at[i]], rows_v.at[buf],
                              sems[buf]).start()

    def gather_wait(i, buf):
        pltpu.make_async_copy(prev_hbm.at[idx_v.at[i]], rows_v.at[buf],
                              sems[buf]).wait()

    def compute_node(i, buf):
        idx_vec = idx_v[i, :]
        flags16 = plsc.load_gather(flags_v, [idx_vec])
        acount = jnp.sum(flags16)
        active = acount >= THRESH
        gate = lax.broadcast(active.astype(jnp.float32), (L,))

        w_row = w_v[i, :]
        wm_v[pl.ds(L, L)] = w_row * flags16.astype(jnp.float32) * gate
        splats = [plsc.load_gather(wm_v, [jnp.full((L,), L + p, jnp.int32)])
                  for p in range(P)]
        b_splat = plsc.load_gather(b_v, [jnp.zeros((L,), jnp.int32) + i]) * gate

        gather_wait(i, buf)

        @plsc.parallel_loop(0, D // L, unroll=4)
        def _(c):
            off = c * L
            accs = []
            for q in range(4):
                a = splats[4 * q] * rows_v[buf, 4 * q, pl.ds(off, L)]
                for p in range(4 * q + 1, 4 * q + 4):
                    a = a + splats[p] * rows_v[buf, p, pl.ds(off, L)]
                accs.append(a)
            x = ((accs[0] + accs[1]) + (accs[2] + accs[3])) + b_splat
            xi = plsc.bitcast(x, jnp.uint32)
            sign = xi & jnp.uint32(0x80000000)
            ax = plsc.bitcast(xi & jnp.uint32(0x7FFFFFFF), jnp.float32)
            t = jnp.exp(-2.0 * ax)
            y = (1.0 - t) / (1.0 + t)
            yi = plsc.bitcast(y, jnp.uint32) | sign
            out_v[i, pl.ds(off, L)] = plsc.bitcast(yi, jnp.float32)

    gather_start(0, 0)
    gather_start(1, 1)

    def outer(g2, _):
        g = g2 * 2
        for buf in range(2):
            i = g + buf
            compute_node(i, buf)

            @pl.when(i + 2 < npw)
            def _():
                gather_start(i + 2, buf)

        return 0

    lax.fori_loop(0, npw // 2, outer, 0, unroll=False)

    pltpu.sync_copy(out_v, out_hbm.at[pl.ds(base, npw)])
    pltpu.sync_copy(act_v.at[pl.ds(0, npw)], act_hbm.at[pl.ds(base, npw)])


@functools.partial(jax.jit, static_argnums=(6, 7, 8))
def _decoder_sc(prev_flat, flags_i32, parent_indices, parent_indices_t, w, b,
                K, M, D):
    npw = K // (NC * NS)
    mesh = plsc.VectorSubcoreMesh(core_axis_name="c", subcore_axis_name="s")
    body = functools.partial(_sc_body, K, M, D, npw)
    run = pl.kernel(
        body,
        out_type=[jax.ShapeDtypeStruct((K, D), jnp.float32),
                  jax.ShapeDtypeStruct((K,), jnp.int32)],
        mesh=mesh,
        scratch_types=[
            pltpu.VMEM((M,), jnp.int32),
            pltpu.VMEM((npw, P), jnp.int32),
            pltpu.VMEM((P, npw), jnp.int32),
            pltpu.VMEM((npw, P), jnp.float32),
            pltpu.VMEM((npw,), jnp.float32),
            pltpu.VMEM((2, P, D), jnp.float32),
            pltpu.VMEM((npw, D), jnp.float32),
            pltpu.VMEM((npw + L,), jnp.int32),
            pltpu.VMEM((2 * P,), jnp.float32),
            pltpu.SemaphoreType.DMA,
            pltpu.SemaphoreType.DMA,
        ],
        compiler_params=pltpu.CompilerParams(needs_layout_passes=False),
    )
    return run(prev_flat, flags_i32, parent_indices, parent_indices_t, w, b)


def kernel(prev_outputs, prev_is_active, parent_indices, w, b):
    M, n, _ = prev_outputs.shape
    K = parent_indices.shape[0]
    D = n * n
    prev_flat = prev_outputs.reshape(M, D)
    flags_i32 = prev_is_active.astype(jnp.int32)
    nw = NC * NS
    idxt3 = parent_indices.reshape(nw, K // nw, P).transpose(0, 2, 1)
    comb, act = _decoder_sc(prev_flat, flags_i32, parent_indices,
                            idxt3, w, b, K, M, D)
    out = comb.reshape(K, 1, n, n)
    return out, act.astype(bool)

# --- scband reference (transcript-rebuilt; emitter-appended) ---
"""Pipeline reference for scband-decoder-layer-51874615001327 (READ-ONLY COPY).

The authoritative reference and input builder live on the scoring server;
editing this copy changes nothing except your own understanding.
"""

import jax, jax.numpy as jnp
import numpy as np

DECODER_MAX_PARENTS = 16
DECODER_ACTIVE_THRESHOLD = 12
K = 2048   # k_nodes
M = 8192   # n_prev_outputs
N = 32     # n (matrix side)


def setup_inputs(seed: int = 0) -> dict:
    key = jax.random.key(seed)
    k1, k2, k3, k4, k5 = jax.random.split(key, 5)
    # forward args
    prev_outputs = jax.random.normal(k1, (M, N, N), dtype=jnp.float32)
    prev_is_active = jax.random.bernoulli(k2, 0.8, (M,))  # bool flags, mostly active
    # static wiring baked in at __init__ (random choice with replacement over M)
    parent_indices = jax.random.randint(k3, (K, DECODER_MAX_PARENTS), 0, M, dtype=jnp.int32)
    # per-decoder learned parameters (one Decoder per node, vmapped):
    # mixing weights over the 16 parents + scalar bias
    w = (jax.random.normal(k4, (K, DECODER_MAX_PARENTS), dtype=jnp.float32)
         / np.sqrt(DECODER_MAX_PARENTS))
    b = jax.random.normal(k5, (K,), dtype=jnp.float32) * 0.01
    return {"prev_outputs": prev_outputs, "prev_is_active": prev_is_active,
            "parent_indices": parent_indices, "w": w, "b": b}


def reference(prev_outputs, prev_is_active, parent_indices, w, b):
    # gather each decoder's 16 parent matrices / flags (static wiring)
    gathered = jnp.take(prev_outputs, parent_indices, axis=0)        # (K, 16, n, n)
    gflags = jnp.take(prev_is_active, parent_indices, axis=0)        # (K, 16) bool
    # threshold gate: node is active iff >= 12 of 16 parents are active
    active_count = jnp.sum(gflags.astype(jnp.int32), axis=1)         # (K,)
    out_active = active_count >= DECODER_ACTIVE_THRESHOLD            # (K,) bool
    # decoder body: mask inactive parents, learned weighted combination, nonlinearity
    masked = gathered * gflags[:, :, None, None].astype(gathered.dtype)
    combined = jnp.einsum('kp,kpij->kij', w, masked) + b[:, None, None]  # (K, n, n)
    out = jnp.tanh(combined)
    # inactive nodes emit a zero tensor
    out = jnp.where(out_active[:, None, None], out, jnp.zeros_like(out))
    out = out[:, None, :, :]                                          # (K, 1, n, n)
    return out, out_active

if __name__ == "__main__":
    import jax
    _d = setup_inputs()
    print(jax.jit(kernel)(*tuple(_d.values())))

</pallas_src>

<mosaic_0001>
#map = affine_map<(d0, d1) -> (0, 0)>
#map1 = affine_map<(d0, d1) -> (0)>
#map2 = affine_map<(d0, d1) -> (0, 0, 0)>
module attributes {stable_mosaic.version = 14 : i64} {
  func.func @_sc_body(%arg0: i32, %arg1: i32, %arg2: memref<8192x1024xf32, #tpu.memory_space<hbm>>, %arg3: memref<8192xi32, #tpu.memory_space<hbm>>, %arg4: memref<2048x16xi32, #tpu.memory_space<hbm>>, %arg5: memref<32x16x64xi32, #tpu.memory_space<hbm>>, %arg6: memref<2048x16xf32, #tpu.memory_space<hbm>>, %arg7: memref<2048xf32, #tpu.memory_space<hbm>>, %arg8: memref<2048x1024xf32, #tpu.memory_space<hbm>>, %arg9: memref<2048xi32, #tpu.memory_space<hbm>>, %arg10: memref<8192xi32, #tpu.memory_space<vmem>>, %arg11: memref<64x16xi32, #tpu.memory_space<vmem>>, %arg12: memref<16x64xi32, #tpu.memory_space<vmem>>, %arg13: memref<64x16xf32, #tpu.memory_space<vmem>>, %arg14: memref<64xf32, #tpu.memory_space<vmem>>, %arg15: memref<2x16x1024xf32, #tpu.memory_space<vmem>>, %arg16: memref<64x1024xf32, #tpu.memory_space<vmem>>, %arg17: memref<80xi32, #tpu.memory_space<vmem>>, %arg18: memref<32xf32, #tpu.memory_space<vmem>>, %arg19: memref<!tpu.dma_semaphore, #tpu.memory_space<semaphore_mem>>, %arg20: memref<!tpu.dma_semaphore, #tpu.memory_space<semaphore_mem>>) attributes {dimension_semantics = [#tpu.dimension_semantics<core_parallel>, #tpu.dimension_semantics<subcore_parallel>], iteration_bounds = array<i64: 2, 16>, scalar_prefetch = 0 : i64, scratch_operands = 11 : i64, tpu.core_type = #tpu.core_type<sc_vector_subcore>, window_params = [{transform_indices = #map}, {transform_indices = #map1}, {transform_indices = #map}, {transform_indices = #map2}, {transform_indices = #map}, {transform_indices = #map1}, {transform_indices = #map}, {transform_indices = #map1}]} {
    %mul3A = arith.constant 2 : i32
    %mul3A_0 = arith.muli %arg1, %mul3A : i32
    %add3A = arith.addi %mul3A_0, %arg0 : i32
    %mul3A_1 = arith.constant 64 : i32
    %mul3A_2 = arith.muli %add3A, %mul3A_1 : i32
    "tpu.region"() ({
      %run_scoped3A = tpu.sem_alloc : memref<!tpu.dma_semaphore, #tpu.memory_space<semaphore_mem>>
      tpu.enqueue_dma source(%arg3 : memref<8192xi32, #tpu.memory_space<hbm>>) target(%arg10 : memref<8192xi32, #tpu.memory_space<vmem>>) target_semaphore(%run_scoped3A : memref<!tpu.dma_semaphore, #tpu.memory_space<semaphore_mem>>)
      tpu.wait_dma2 semaphore(%run_scoped3A : memref<!tpu.dma_semaphore, #tpu.memory_space<semaphore_mem>>) src(%arg3 : memref<8192xi32, #tpu.memory_space<hbm>>) dst(%arg10 : memref<8192xi32, #tpu.memory_space<vmem>>)
      tpu.yield
    }) : () -> ()
    "tpu.region"() ({
      %run_scoped3A = tpu.sem_alloc : memref<!tpu.dma_semaphore, #tpu.memory_space<semaphore_mem>>
      %dma_start3A_39 = arith.constant 0 : i32
      %dma_start3A_40 = tpu.memref_slice %arg4[%mul3A_2, %dma_start3A_39] : memref<2048x16xi32, #tpu.memory_space<hbm>> -> memref<64x16xi32, #tpu.memory_space<hbm>>
      %dma_start3A_41 = arith.constant 0 : i32
      %dma_start3A_42 = tpu.memref_slice %arg4[%mul3A_2, %dma_start3A_41] : memref<2048x16xi32, #tpu.memory_space<hbm>> -> memref<64x16xi32, #tpu.memory_space<hbm>>
      tpu.enqueue_dma source(%dma_start3A_42 : memref<64x16xi32, #tpu.memory_space<hbm>>) target(%arg11 : memref<64x16xi32, #tpu.memory_space<vmem>>) target_semaphore(%run_scoped3A : memref<!tpu.dma_semaphore, #tpu.memory_space<semaphore_mem>>)
      %dma_wait3A = arith.constant 0 : i32
      %dma_wait3A_43 = tpu.memref_slice %arg4[%mul3A_2, %dma_wait3A] : memref<2048x16xi32, #tpu.memory_space<hbm>> -> memref<64x16xi32, #tpu.memory_space<hbm>>
      %dma_wait3A_44 = arith.constant 0 : i32
      %dma_wait3A_45 = tpu.memref_slice %arg4[%mul3A_2, %dma_wait3A_44] : memref<2048x16xi32, #tpu.memory_space<hbm>> -> memref<64x16xi32, #tpu.memory_space<hbm>>
      tpu.wait_dma2 semaphore(%run_scoped3A : memref<!tpu.dma_semaphore, #tpu.memory_space<semaphore_mem>>) src(%dma_wait3A_45 : memref<64x16xi32, #tpu.memory_space<hbm>>) dst(%arg11 : memref<64x16xi32, #tpu.memory_space<vmem>>)
      tpu.yield
    }) : () -> ()
    "tpu.region"() ({
      %run_scoped3A = tpu.sem_alloc : memref<!tpu.dma_semaphore, #tpu.memory_space<semaphore_mem>>
      %dma_start3A_39 = arith.constant 0 : i32
      %dma_start3A_40 = arith.constant 0 : i32
      %dma_start3A_41 = tpu.memref_slice %arg5[%add3A, %dma_start3A_39, %dma_start3A_40] : memref<32x16x64xi32, #tpu.memory_space<hbm>> -> memref<1x16x64xi32, #tpu.memory_space<hbm>>
      %dma_start3A_42 = tpu.memref_squeeze %dma_start3A_41 : memref<1x16x64xi32, #tpu.memory_space<hbm>> -> memref<16x64xi32, #tpu.memory_space<hbm>>
      %dma_start3A_43 = arith.constant 0 : i32
      %dma_start3A_44 = arith.constant 0 : i32
      %dma_start3A_45 = tpu.memref_slice %arg5[%add3A, %dma_start3A_43, %dma_start3A_44] : memref<32x16x64xi32, #tpu.memory_space<hbm>> -> memref<1x16x64xi32, #tpu.memory_space<hbm>>
      %dma_start3A_46 = tpu.memref_squeeze %dma_start3A_45 : memref<1x16x64xi32, #tpu.memory_space<hbm>> -> memref<16x64xi32, #tpu.memory_space<hbm>>
      tpu.enqueue_dma source(%dma_start3A_46 : memref<16x64xi32, #tpu.memory_space<hbm>>) target(%arg12 : memref<16x64xi32, #tpu.memory_space<vmem>>) target_semaphore(%run_scoped3A : memref<!tpu.dma_semaphore, #tpu.memory_space<semaphore_mem>>)
      %dma_wait3A = arith.constant 0 : i32
      %dma_wait3A_47 = arith.constant 0 : i32
      %dma_wait3A_48 = tpu.memref_slice %arg5[%add3A, %dma_wait3A, %dma_wait3A_47] : memref<32x16x64xi32, #tpu.memory_space<hbm>> -> memref<1x16x64xi32, #tpu.memory_space<hbm>>
      %dma_wait3A_49 = tpu.memref_squeeze %dma_wait3A_48 : memref<1x16x64xi32, #tpu.memory_space<hbm>> -> memref<16x64xi32, #tpu.memory_space<hbm>>
      %dma_wait3A_50 = arith.constant 0 : i32
      %dma_wait3A_51 = arith.constant 0 : i32
      %dma_wait3A_52 = tpu.memref_slice %arg5[%add3A, %dma_wait3A_50, %dma_wait3A_51] : memref<32x16x64xi32, #tpu.memory_space<hbm>> -> memref<1x16x64xi32, #tpu.memory_space<hbm>>
      %dma_wait3A_53 = tpu.memref_squeeze %dma_wait3A_52 : memref<1x16x64xi32, #tpu.memory_space<hbm>> -> memref<16x64xi32, #tpu.memory_space<hbm>>
      tpu.wait_dma2 semaphore(%run_scoped3A : memref<!tpu.dma_semaphore, #tpu.memory_space<semaphore_mem>>) src(%dma_wait3A_53 : memref<16x64xi32, #tpu.memory_space<hbm>>) dst(%arg12 : memref<16x64xi32, #tpu.memory_space<vmem>>)
      tpu.yield
    }) : () -> ()
    "tpu.region"() ({
      %run_scoped3A = tpu.sem_alloc : memref<!tpu.dma_semaphore, #tpu.memory_space<semaphore_mem>>
      %dma_start3A_39 = arith.constant 0 : i32
      %dma_start3A_40 = tpu.memref_slice %arg6[%mul3A_2, %dma_start3A_39] : memref<2048x16xf32, #tpu.memory_space<hbm>> -> memref<64x16xf32, #tpu.memory_space<hbm>>
      %dma_start3A_41 = arith.constant 0 : i32
      %dma_start3A_42 = tpu.memref_slice %arg6[%mul3A_2, %dma_start3A_41] : memref<2048x16xf32, #tpu.memory_space<hbm>> -> memref<64x16xf32, #tpu.memory_space<hbm>>
      tpu.enqueue_dma source(%dma_start3A_42 : memref<64x16xf32, #tpu.memory_space<hbm>>) target(%arg13 : memref<64x16xf32, #tpu.memory_space<vmem>>) target_semaphore(%run_scoped3A : memref<!tpu.dma_semaphore, #tpu.memory_space<semaphore_mem>>)
      %dma_wait3A = arith.constant 0 : i32
      %dma_wait3A_43 = tpu.memref_slice %arg6[%mul3A_2, %dma_wait3A] : memref<2048x16xf32, #tpu.memory_space<hbm>> -> memref<64x16xf32, #tpu.memory_space<hbm>>
      %dma_wait3A_44 = arith.constant 0 : i32
      %dma_wait3A_45 = tpu.memref_slice %arg6[%mul3A_2, %dma_wait3A_44] : memref<2048x16xf32, #tpu.memory_space<hbm>> -> memref<64x16xf32, #tpu.memory_space<hbm>>
      tpu.wait_dma2 semaphore(%run_scoped3A : memref<!tpu.dma_semaphore, #tpu.memory_space<semaphore_mem>>) src(%dma_wait3A_45 : memref<64x16xf32, #tpu.memory_space<hbm>>) dst(%arg13 : memref<64x16xf32, #tpu.memory_space<vmem>>)
      tpu.yield
    }) : () -> ()
    "tpu.region"() ({
      %run_scoped3A = tpu.sem_alloc : memref<!tpu.dma_semaphore, #tpu.memory_space<semaphore_mem>>
      %dma_start3A_39 = tpu.memref_slice %arg7[%mul3A_2] : memref<2048xf32, #tpu.memory_space<hbm>> -> memref<64xf32, #tpu.memory_space<hbm>>
      %dma_start3A_40 = tpu.memref_slice %arg7[%mul3A_2] : memref<2048xf32, #tpu.memory_space<hbm>> -> memref<64xf32, #tpu.memory_space<hbm>>
      tpu.enqueue_dma source(%dma_start3A_40 : memref<64xf32, #tpu.memory_space<hbm>>) target(%arg14 : memref<64xf32, #tpu.memory_space<vmem>>) target_semaphore(%run_scoped3A : memref<!tpu.dma_semaphore, #tpu.memory_space<semaphore_mem>>)
      %dma_wait3A = tpu.memref_slice %arg7[%mul3A_2] : memref<2048xf32, #tpu.memory_space<hbm>> -> memref<64xf32, #tpu.memory_space<hbm>>
      %dma_wait3A_41 = tpu.memref_slice %arg7[%mul3A_2] : memref<2048xf32, #tpu.memory_space<hbm>> -> memref<64xf32, #tpu.memory_space<hbm>>
      tpu.wait_dma2 semaphore(%run_scoped3A : memref<!tpu.dma_semaphore, #tpu.memory_space<semaphore_mem>>) src(%dma_wait3A_41 : memref<64xf32, #tpu.memory_space<hbm>>) dst(%arg14 : memref<64xf32, #tpu.memory_space<vmem>>)
      tpu.yield
    }) : () -> ()
    %scan3A = arith.constant 0 : i32
    %scan3A_3 = arith.constant 0 : i32
    %scan3A_4 = arith.constant 4 : i32
    %scan3A_5 = arith.addi %scan3A_3, %scan3A_4 : i32
    %scan3A_6 = arith.constant 1 : i32
    %scan3A_7 = scf.for %scan3A_39 = %scan3A_3 to %scan3A_5 step %scan3A_6 iter_args(%scan3A_40 = %scan3A) -> (i32)  : i32 {
      %mul3A_41 = arith.constant 16 : i32
      %mul3A_42 = arith.muli %scan3A_39, %mul3A_41 : i32
      %broadcast_in_dim3A = arith.constant 0 : i32
      %broadcast_in_dim3A_43 = vector.broadcast %broadcast_in_dim3A : i32 to vector<16xi32>
      %get3A = arith.constant 0 : i32
      %get3A_44 = arith.index_cast %get3A : i32 to index
      %get3A_45 = arith.index_cast %mul3A_42 : i32 to index
      %get3A_46 = tpu.vector_load %arg12[%get3A_44, %get3A_45] {strides = array<i32>} : memref<16x64xi32, #tpu.memory_space<vmem>>, vector<16xi32>,
      %gather3A = tpu.vector_load_idx %arg10[%get3A_46] : memref<8192xi32, #tpu.memory_space<vmem>>[vector<16xi32>], vector<16xi32>,
      %add3A_47 = arith.addi %broadcast_in_dim3A_43, %gather3A : vector<16xi32>
      %get3A_48 = arith.constant 1 : i32
      %get3A_49 = arith.index_cast %get3A_48 : i32 to index
      %get3A_50 = arith.index_cast %mul3A_42 : i32 to index
      %get3A_51 = tpu.vector_load %arg12[%get3A_49, %get3A_50] {strides = array<i32>} : memref<16x64xi32, #tpu.memory_space<vmem>>, vector<16xi32>,
      %gather3A_52 = tpu.vector_load_idx %arg10[%get3A_51] : memref<8192xi32, #tpu.memory_space<vmem>>[vector<16xi32>], vector<16xi32>,
      %add3A_53 = arith.addi %add3A_47, %gather3A_52 : vector<16xi32>
      %get3A_54 = arith.constant 2 : i32
      %get3A_55 = arith.index_cast %get3A_54 : i32 to index
      %get3A_56 = arith.index_cast %mul3A_42 : i32 to index
      %get3A_57 = tpu.vector_load %arg12[%get3A_55, %get3A_56] {strides = array<i32>} : memref<16x64xi32, #tpu.memory_space<vmem>>, vector<16xi32>,
      %gather3A_58 = tpu.vector_load_idx %arg10[%get3A_57] : memref<8192xi32, #tpu.memory_space<vmem>>[vector<16xi32>], vector<16xi32>,
      %add3A_59 = arith.addi %add3A_53, %gather3A_58 : vector<16xi32>
      %get3A_60 = arith.constant 3 : i32
      %get3A_61 = arith.index_cast %get3A_60 : i32 to index
      %get3A_62 = arith.index_cast %mul3A_42 : i32 to index
      %get3A_63 = tpu.vector_load %arg12[%get3A_61, %get3A_62] {strides = array<i32>} : memref<16x64xi32, #tpu.memory_space<vmem>>, vector<16xi32>,
      %gather3A_64 = tpu.vector_load_idx %arg10[%get3A_63] : memref<8192xi32, #tpu.memory_space<vmem>>[vector<16xi32>], vector<16xi32>,
      %add3A_65 = arith.addi %add3A_59, %gather3A_64 : vector<16xi32>
      %get3A_66 = arith.constant 4 : i32
      %get3A_67 = arith.index_cast %get3A_66 : i32 to index
      %get3A_68 = arith.index_cast %mul3A_42 : i32 to index
      %get3A_69 = tpu.vector_load %arg12[%get3A_67, %get3A_68] {strides = array<i32>} : memref<16x64xi32, #tpu.memory_space<vmem>>, vector<16xi32>,
      %gather3A_70 = tpu.vector_load_idx %arg10[%get3A_69] : memref<8192xi32, #tpu.memory_space<vmem>>[vector<16xi32>], vector<16xi32>,
      %add3A_71 = arith.addi %add3A_65, %gather3A_70 : vector<16xi32>
      %get3A_72 = arith.constant 5 : i32
      %get3A_73 = arith.index_cast %get3A_72 : i32 to index
      %get3A_74 = arith.index_cast %mul3A_42 : i32 to index
      %get3A_75 = tpu.vector_load %arg12[%get3A_73, %get3A_74] {strides = array<i32>} : memref<16x64xi32, #tpu.memory_space<vmem>>, vector<16xi32>,
      %gather3A_76 = tpu.vector_load_idx %arg10[%get3A_75] : memref<8192xi32, #tpu.memory_space<vmem>>[vector<16xi32>], vector<16xi32>,
      %add3A_77 = arith.addi %add3A_71, %gather3A_76 : vector<16xi32>
      %get3A_78 = arith.constant 6 : i32
      %get3A_79 = arith.index_cast %get3A_78 : i32 to index
      %get3A_80 = arith.index_cast %mul3A_42 : i32 to index
      %get3A_81 = tpu.vector_load %arg12[%get3A_79, %get3A_80] {strides = array<i32>} : memref<16x64xi32, #tpu.memory_space<vmem>>, vector<16xi32>,
      %gather3A_82 = tpu.vector_load_idx %arg10[%get3A_81] : memref<8192xi32, #tpu.memory_space<vmem>>[vector<16xi32>], vector<16xi32>,
      %add3A_83 = arith.addi %add3A_77, %gather3A_82 : vector<16xi32>
      %get3A_84 = arith.constant 7 : i32
      %get3A_85 = arith.index_cast %get3A_84 : i32 to index
      %get3A_86 = arith.index_cast %mul3A_42 : i32 to index
      %get3A_87 = tpu.vector_load %arg12[%get3A_85, %get3A_86] {strides = array<i32>} : memref<16x64xi32, #tpu.memory_space<vmem>>, vector<16xi32>,
      %gather3A_88 = tpu.vector_load_idx %arg10[%get3A_87] : memref<8192xi32, #tpu.memory_space<vmem>>[vector<16xi32>], vector<16xi32>,
      %add3A_89 = arith.addi %add3A_83, %gather3A_88 : vector<16xi32>
      %get3A_90 = arith.constant 8 : i32
      %get3A_91 = arith.index_cast %get3A_90 : i32 to index
      %get3A_92 = arith.index_cast %mul3A_42 : i32 to index
      %get3A_93 = tpu.vector_load %arg12[%get3A_91, %get3A_92] {strides = array<i32>} : memref<16x64xi32, #tpu.memory_space<vmem>>, vector<16xi32>,
      %gather3A_94 = tpu.vector_load_idx %arg10[%get3A_93] : memref<8192xi32, #tpu.memory_space<vmem>>[vector<16xi32>], vector<16xi32>,
      %add3A_95 = arith.addi %add3A_89, %gather3A_94 : vector<16xi32>
      %get3A_96 = arith.constant 9 : i32
      %get3A_97 = arith.index_cast %get3A_96 : i32 to index
      %get3A_98 = arith.index_cast %mul3A_42 : i32 to index
      %get3A_99 = tpu.vector_load %arg12[%get3A_97, %get3A_98] {strides = array<i32>} : memref<16x64xi32, #tpu.memory_space<vmem>>, vector<16xi32>,
      %gather3A_100 = tpu.vector_load_idx %arg10[%get3A_99] : memref<8192xi32, #tpu.memory_space<vmem>>[vector<16xi32>], vector<16xi32>,
      %add3A_101 = arith.addi %add3A_95, %gather3A_100 : vector<16xi32>
      %get3A_102 = arith.constant 10 : i32
      %get3A_103 = arith.index_cast %get3A_102 : i32 to index
      %get3A_104 = arith.index_cast %mul3A_42 : i32 to index
      %get3A_105 = tpu.vector_load %arg12[%get3A_103, %get3A_104] {strides = array<i32>} : memref<16x64xi32, #tpu.memory_space<vmem>>, vector<16xi32>,
      %gather3A_106 = tpu.vector_load_idx %arg10[%get3A_105] : memref<8192xi32, #tpu.memory_space<vmem>>[vector<16xi32>], vector<16xi32>,
      %add3A_107 = arith.addi %add3A_101, %gather3A_106 : vector<16xi32>
      %get3A_108 = arith.constant 11 : i32
      %get3A_109 = arith.index_cast %get3A_108 : i32 to index
      %get3A_110 = arith.index_cast %mul3A_42 : i32 to index
      %get3A_111 = tpu.vector_load %arg12[%get3A_109, %get3A_110] {strides = array<i32>} : memref<16x64xi32, #tpu.memory_space<vmem>>, vector<16xi32>,
      %gather3A_112 = tpu.vector_load_idx %arg10[%get3A_111] : memref<8192xi32, #tpu.memory_space<vmem>>[vector<16xi32>], vector<16xi32>,
      %add3A_113 = arith.addi %add3A_107, %gather3A_112 : vector<16xi32>
      %get3A_114 = arith.constant 12 : i32
      %get3A_115 = arith.index_cast %get3A_114 : i32 to index
      %get3A_116 = arith.index_cast %mul3A_42 : i32 to index
      %get3A_117 = tpu.vector_load %arg12[%get3A_115, %get3A_116] {strides = array<i32>} : memref<16x64xi32, #tpu.memory_space<vmem>>, vector<16xi32>,
      %gather3A_118 = tpu.vector_load_idx %arg10[%get3A_117] : memref<8192xi32, #tpu.memory_space<vmem>>[vector<16xi32>], vector<16xi32>,
      %add3A_119 = arith.addi %add3A_113, %gather3A_118 : vector<16xi32>
      %get3A_120 = arith.constant 13 : i32
      %get3A_121 = arith.index_cast %get3A_120 : i32 to index
      %get3A_122 = arith.index_cast %mul3A_42 : i32 to index
      %get3A_123 = tpu.vector_load %arg12[%get3A_121, %get3A_122] {strides = array<i32>} : memref<16x64xi32, #tpu.memory_space<vmem>>, vector<16xi32>,
      %gather3A_124 = tpu.vector_load_idx %arg10[%get3A_123] : memref<8192xi32, #tpu.memory_space<vmem>>[vector<16xi32>], vector<16xi32>,
      %add3A_125 = arith.addi %add3A_119, %gather3A_124 : vector<16xi32>
      %get3A_126 = arith.constant 14 : i32
      %get3A_127 = arith.index_cast %get3A_126 : i32 to index
      %get3A_128 = arith.index_cast %mul3A_42 : i32 to index
      %get3A_129 = tpu.vector_load %arg12[%get3A_127, %get3A_128] {strides = array<i32>} : memref<16x64xi32, #tpu.memory_space<vmem>>, vector<16xi32>,
      %gather3A_130 = tpu.vector_load_idx %arg10[%get3A_129] : memref<8192xi32, #tpu.memory_space<vmem>>[vector<16xi32>], vector<16xi32>,
      %add3A_131 = arith.addi %add3A_125, %gather3A_130 : vector<16xi32>
      %get3A_132 = arith.constant 15 : i32
      %get3A_133 = arith.index_cast %get3A_132 : i32 to index
      %get3A_134 = arith.index_cast %mul3A_42 : i32 to index
      %get3A_135 = tpu.vector_load %arg12[%get3A_133, %get3A_134] {strides = array<i32>} : memref<16x64xi32, #tpu.memory_space<vmem>>, vector<16xi32>,
      %gather3A_136 = tpu.vector_load_idx %arg10[%get3A_135] : memref<8192xi32, #tpu.memory_space<vmem>>[vector<16xi32>], vector<16xi32>,
      %add3A_137 = arith.addi %add3A_131, %gather3A_136 : vector<16xi32>
      %ge3A = arith.constant 12 : i32
      %ge3A_138 = vector.broadcast %ge3A : i32 to vector<16xi32>
      %ge3A_139 = arith.cmpi sge, %add3A_137, %ge3A_138 : vector<16xi32>
      %convert_element_type3A = arith.extui %ge3A_139 : vector<16xi1> to vector<16xi32>
      %swap3A = arith.index_cast %mul3A_42 : i32 to index
      %swap3A_140 = tpu.vector_load %arg17[%swap3A] {strides = array<i32>} : memref<80xi32, #tpu.memory_space<vmem>>, vector<16xi32>,
      tpu.vector_store %arg17[%swap3A], %convert_element_type3A {strides = array<i32>} : memref<80xi32, #tpu.memory_space<vmem>>, vector<16xi32>,
      %scan3A_141 = arith.constant 0 : i32
      scf.yield %scan3A_141 : i32
    }
    %scan3A_8 = arith.constant 4 : i32
    %dma_start3A = arith.constant 0 : i32
    %dma_start3A_9 = arith.constant 0 : i32
    %dma_start3A_10 = arith.constant 0 : i32
    %dma_start3A_11 = arith.constant 0 : i32
    %dma_start3A_12 = tpu.memref_slice %arg15[%dma_start3A_9, %dma_start3A_10, %dma_start3A_11] : memref<2x16x1024xf32, #tpu.memory_space<vmem>> -> memref<1x16x1024xf32, #tpu.memory_space<vmem>>
    %dma_start3A_13 = tpu.memref_squeeze %dma_start3A_12 : memref<1x16x1024xf32, #tpu.memory_space<vmem>> -> memref<16x1024xf32, #tpu.memory_space<vmem>>
    %dma_start3A_14 = arith.constant 0 : i32
    %dma_start3A_15 = tpu.memref_slice %arg11[%dma_start3A, %dma_start3A_14] : memref<64x16xi32, #tpu.memory_space<vmem>> -> memref<1x16xi32, #tpu.memory_space<vmem>>
    %dma_start3A_16 = tpu.memref_squeeze %dma_start3A_15 : memref<1x16xi32, #tpu.memory_space<vmem>> -> memref<16xi32, #tpu.memory_space<vmem>>
    %dma_start3A_17 = arith.constant 0 : i32
    %dma_start3A_18 = arith.constant 0 : i32
    %dma_start3A_19 = tpu.memref_slice %arg2[%dma_start3A_17, %dma_start3A_18] : memref<8192x1024xf32, #tpu.memory_space<hbm>> -> memref<8192x1024xf32, #tpu.memory_space<hbm>>
    tpu.enqueue_indirect_dma source(%dma_start3A_19 : memref<8192x1024xf32, #tpu.memory_space<hbm>>) target(%dma_start3A_13 : memref<16x1024xf32, #tpu.memory_space<vmem>>) offsets(%dma_start3A_16 : memref<16xi32, #tpu.memory_space<vmem>>) semaphore(%arg19 : memref<!tpu.dma_semaphore, #tpu.memory_space<semaphore_mem>>)
    %dma_start3A_20 = arith.constant 1 : i32
    %dma_start3A_21 = arith.constant 1 : i32
    %dma_start3A_22 = arith.constant 0 : i32
    %dma_start3A_23 = arith.constant 0 : i32
    %dma_start3A_24 = tpu.memref_slice %arg15[%dma_start3A_21, %dma_start3A_22, %dma_start3A_23] : memref<2x16x1024xf32, #tpu.memory_space<vmem>> -> memref<1x16x1024xf32, #tpu.memory_space<vmem>>
    %dma_start3A_25 = tpu.memref_squeeze %dma_start3A_24 : memref<1x16x1024xf32, #tpu.memory_space<vmem>> -> memref<16x1024xf32, #tpu.memory_space<vmem>>
    %dma_start3A_26 = arith.constant 0 : i32
    %dma_start3A_27 = tpu.memref_slice %arg11[%dma_start3A_20, %dma_start3A_26] : memref<64x16xi32, #tpu.memory_space<vmem>> -> memref<1x16xi32, #tpu.memory_space<vmem>>
    %dma_start3A_28 = tpu.memref_squeeze %dma_start3A_27 : memref<1x16xi32, #tpu.memory_space<vmem>> -> memref<16xi32, #tpu.memory_space<vmem>>
    %dma_start3A_29 = arith.constant 0 : i32
    %dma_start3A_30 = arith.constant 0 : i32
    %dma_start3A_31 = tpu.memref_slice %arg2[%dma_start3A_29, %dma_start3A_30] : memref<8192x1024xf32, #tpu.memory_space<hbm>> -> memref<8192x1024xf32, #tpu.memory_space<hbm>>
    tpu.enqueue_indirect_dma source(%dma_start3A_31 : memref<8192x1024xf32, #tpu.memory_space<hbm>>) target(%dma_start3A_25 : memref<16x1024xf32, #tpu.memory_space<vmem>>) offsets(%dma_start3A_28 : memref<16xi32, #tpu.memory_space<vmem>>) semaphore(%arg20 : memref<!tpu.dma_semaphore, #tpu.memory_space<semaphore_mem>>)
    %scan3A_32 = arith.constant 0 : i32
    %scan3A_33 = arith.constant 0 : i32
    %scan3A_34 = arith.constant 32 : i32
    %scan3A_35 = arith.addi %scan3A_33, %scan3A_34 : i32
    %scan3A_36 = arith.constant 1 : i32
    %scan3A_37 = scf.for %scan3A_39 = %scan3A_33 to %scan3A_35 step %scan3A_36 iter_args(%scan3A_40 = %scan3A_32) -> (i32)  : i32 {
      %mul3A_41 = arith.constant 2 : i32
      %mul3A_42 = arith.muli %scan3A_39, %mul3A_41 : i32
      %add3A_43 = arith.constant 0 : i32
      %add3A_44 = arith.addi %mul3A_42, %add3A_43 : i32
      %get3A = arith.index_cast %add3A_44 : i32 to index
      %get3A_45 = arith.constant 0 : index
      %get3A_46 = tpu.vector_load %arg11[%get3A, %get3A_45] {strides = array<i32>} : memref<64x16xi32, #tpu.memory_space<vmem>>, vector<16xi32>,
      %gather3A = tpu.vector_load_idx %arg10[%get3A_46] : memref<8192xi32, #tpu.memory_space<vmem>>[vector<16xi32>], vector<16xi32>,
      %reduce_sum3A = arith.constant true
      %reduce_sum3A_47 = vector.broadcast %reduce_sum3A : i1 to vector<16xi1>
      %reduce_sum3A_48 = tpu.scan <sum>, %gather3A masked %reduce_sum3A_47 : vector<16xi32>, vector<16xi1> -> vector<16xi32>
      %reduce_sum3A_49 = vector.extract %reduce_sum3A_48[15] : i32 from vector<16xi32>
      %ge3A = arith.constant 12 : i32
      %ge3A_50 = arith.cmpi sge, %reduce_sum3A_49, %ge3A : i32
      %convert_element_type3A = arith.extui %ge3A_50 : i1 to i32
      %convert_element_type3A_51 = arith.sitofp %convert_element_type3A : i32 to f32
      %broadcast_in_dim3A = vector.broadcast %convert_element_type3A_51 : f32 to vector<16xf32>
      %get3A_52 = arith.index_cast %add3A_44 : i32 to index
      %get3A_53 = arith.constant 0 : index
      %get3A_54 = tpu.vector_load %arg13[%get3A_52, %get3A_53] {strides = array<i32>} : memref<64x16xf32, #tpu.memory_space<vmem>>, vector<16xf32>,
      %convert_element_type3A_55 = arith.sitofp %gather3A : vector<16xi32> to vector<16xf32>
      %mul3A_56 = arith.mulf %get3A_54, %convert_element_type3A_55 : vector<16xf32>
      %mul3A_57 = arith.mulf %mul3A_56, %broadcast_in_dim3A : vector<16xf32>
      %swap3A = arith.constant 16 : index
      %swap3A_58 = tpu.vector_load %arg18[%swap3A] {strides = array<i32>} : memref<32xf32, #tpu.memory_space<vmem>>, vector<16xf32>,
      tpu.vector_store %arg18[%swap3A], %mul3A_57 {strides = array<i32>} : memref<32xf32, #tpu.memory_space<vmem>>, vector<16xf32>,
      %broadcast_in_dim3A_59 = arith.constant 16 : i32
      %broadcast_in_dim3A_60 = vector.broadcast %broadcast_in_dim3A_59 : i32 to vector<16xi32>
      %gather3A_61 = tpu.vector_load_idx %arg18[%broadcast_in_dim3A_60] : memref<32xf32, #tpu.memory_space<vmem>>[vector<16xi32>], vector<16xf32>,
      %broadcast_in_dim3A_62 = arith.constant 17 : i32
      %broadcast_in_dim3A_63 = vector.broadcast %broadcast_in_dim3A_62 : i32 to vector<16xi32>
      %gather3A_64 = tpu.vector_load_idx %arg18[%broadcast_in_dim3A_63] : memref<32xf32, #tpu.memory_space<vmem>>[vector<16xi32>], vector<16xf32>,
      %broadcast_in_dim3A_65 = arith.constant 18 : i32
      %broadcast_in_dim3A_66 = vector.broadcast %broadcast_in_dim3A_65 : i32 to vector<16xi32>
      %gather3A_67 = tpu.vector_load_idx %arg18[%broadcast_in_dim3A_66] : memref<32xf32, #tpu.memory_space<vmem>>[vector<16xi32>], vector<16xf32>,
      %broadcast_in_dim3A_68 = arith.constant 19 : i32
      %broadcast_in_dim3A_69 = vector.broadcast %broadcast_in_dim3A_68 : i32 to vector<16xi32>
      %gather3A_70 = tpu.vector_load_idx %arg18[%broadcast_in_dim3A_69] : memref<32xf32, #tpu.memory_space<vmem>>[vector<16xi32>], vector<16xf32>,
      %broadcast_in_dim3A_71 = arith.constant 20 : i32
      %broadcast_in_dim3A_72 = vector.broadcast %broadcast_in_dim3A_71 : i32 to vector<16xi32>
      %gather3A_73 = tpu.vector_load_idx %arg18[%broadcast_in_dim3A_72] : memref<32xf32, #tpu.memory_space<vmem>>[vector<16xi32>], vector<16xf32>,
      %broadcast_in_dim3A_74 = arith.constant 21 : i32
      %broadcast_in_dim3A_75 = vector.broadcast %broadcast_in_dim3A_74 : i32 to vector<16xi32>
      %gather3A_76 = tpu.vector_load_idx %arg18[%broadcast_in_dim3A_75] : memref<32xf32, #tpu.memory_space<vmem>>[vector<16xi32>], vector<16xf32>,
      %broadcast_in_dim3A_77 = arith.constant 22 : i32
      %broadcast_in_dim3A_78 = vector.broadcast %broadcast_in_dim3A_77 : i32 to vector<16xi32>
      %gather3A_79 = tpu.vector_load_idx %arg18[%broadcast_in_dim3A_78] : memref<32xf32, #tpu.memory_space<vmem>>[vector<16xi32>], vector<16xf32>,
      %broadcast_in_dim3A_80 = arith.constant 23 : i32
      %broadcast_in_dim3A_81 = vector.broadcast %broadcast_in_dim3A_80 : i32 to vector<16xi32>
      %gather3A_82 = tpu.vector_load_idx %arg18[%broadcast_in_dim3A_81] : memref<32xf32, #tpu.memory_space<vmem>>[vector<16xi32>], vector<16xf32>,
      %broadcast_in_dim3A_83 = arith.constant 24 : i32
      %broadcast_in_dim3A_84 = vector.broadcast %broadcast_in_dim3A_83 : i32 to vector<16xi32>
      %gather3A_85 = tpu.vector_load_idx %arg18[%broadcast_in_dim3A_84] : memref<32xf32, #tpu.memory_space<vmem>>[vector<16xi32>], vector<16xf32>,
      %broadcast_in_dim3A_86 = arith.constant 25 : i32
      %broadcast_in_dim3A_87 = vector.broadcast %broadcast_in_dim3A_86 : i32 to vector<16xi32>
      %gather3A_88 = tpu.vector_load_idx %arg18[%broadcast_in_dim3A_87] : memref<32xf32, #tpu.memory_space<vmem>>[vector<16xi32>], vector<16xf32>,
      %broadcast_in_dim3A_89 = arith.constant 26 : i32
      %broadcast_in_dim3A_90 = vector.broadcast %broadcast_in_dim3A_89 : i32 to vector<16xi32>
      %gather3A_91 = tpu.vector_load_idx %arg18[%broadcast_in_dim3A_90] : memref<32xf32, #tpu.memory_space<vmem>>[vector<16xi32>], vector<16xf32>,
      %broadcast_in_dim3A_92 = arith.constant 27 : i32
      %broadcast_in_dim3A_93 = vector.broadcast %broadcast_in_dim3A_92 : i32 to vector<16xi32>
      %gather3A_94 = tpu.vector_load_idx %arg18[%broadcast_in_dim3A_93] : memref<32xf32, #tpu.memory_space<vmem>>[vector<16xi32>], vector<16xf32>,
      %broadcast_in_dim3A_95 = arith.constant 28 : i32
      %broadcast_in_dim3A_96 = vector.broadcast %broadcast_in_dim3A_95 : i32 to vector<16xi32>
      %gather3A_97 = tpu.vector_load_idx %arg18[%broadcast_in_dim3A_96] : memref<32xf32, #tpu.memory_space<vmem>>[vector<16xi32>], vector<16xf32>,
      %broadcast_in_dim3A_98 = arith.constant 29 : i32
      %broadcast_in_dim3A_99 = vector.broadcast %broadcast_in_dim3A_98 : i32 to vector<16xi32>
      %gather3A_100 = tpu.vector_load_idx %arg18[%broadcast_in_dim3A_99] : memref<32xf32, #tpu.memory_space<vmem>>[vector<16xi32>], vector<16xf32>,
      %broadcast_in_dim3A_101 = arith.constant 30 : i32
      %broadcast_in_dim3A_102 = vector.broadcast %broadcast_in_dim3A_101 : i32 to vector<16xi32>
      %gather3A_103 = tpu.vector_load_idx %arg18[%broadcast_in_dim3A_102] : memref<32xf32, #tpu.memory_space<vmem>>[vector<16xi32>], vector<16xf32>,
      %broadcast_in_dim3A_104 = arith.constant 31 : i32
      %broadcast_in_dim3A_105 = vector.broadcast %broadcast_in_dim3A_104 : i32 to vector<16xi32>
      %gather3A_106 = tpu.vector_load_idx %arg18[%broadcast_in_dim3A_105] : memref<32xf32, #tpu.memory_space<vmem>>[vector<16xi32>], vector<16xf32>,
      %broadcast_in_dim3A_107 = arith.constant 0 : i32
      %broadcast_in_dim3A_108 = vector.broadcast %broadcast_in_dim3A_107 : i32 to vector<16xi32>
      %add3A_109 = vector.broadcast %add3A_44 : i32 to vector<16xi32>
      %add3A_110 = arith.addi %broadcast_in_dim3A_108, %add3A_109 : vector<16xi32>
      %gather3A_111 = tpu.vector_load_idx %arg14[%add3A_110] : memref<64xf32, #tpu.memory_space<vmem>>[vector<16xi32>], vector<16xf32>,
      %mul3A_112 = arith.mulf %gather3A_111, %broadcast_in_dim3A : vector<16xf32>
      %dma_wait3A = arith.constant 0 : i32
      %dma_wait3A_113 = arith.constant 0 : i32
      %dma_wait3A_114 = arith.constant 0 : i32
      %dma_wait3A_115 = tpu.memref_slice %arg15[%dma_wait3A, %dma_wait3A_113, %dma_wait3A_114] : memref<2x16x1024xf32, #tpu.memory_space<vmem>> -> memref<1x16x1024xf32, #tpu.memory_space<vmem>>
      %dma_wait3A_116 = tpu.memref_squeeze %dma_wait3A_115 : memref<1x16x1024xf32, #tpu.memory_space<vmem>> -> memref<16x1024xf32, #tpu.memory_space<vmem>>
      %dma_wait3A_117 = arith.constant 0 : i32
      %dma_wait3A_118 = tpu.memref_slice %arg11[%add3A_44, %dma_wait3A_117] : memref<64x16xi32, #tpu.memory_space<vmem>> -> memref<1x16xi32, #tpu.memory_space<vmem>>
      %dma_wait3A_119 = tpu.memref_squeeze %dma_wait3A_118 : memref<1x16xi32, #tpu.memory_space<vmem>> -> memref<16xi32, #tpu.memory_space<vmem>>
      %dma_wait3A_120 = arith.constant 0 : i32
      %dma_wait3A_121 = arith.constant 0 : i32
      %dma_wait3A_122 = tpu.memref_slice %arg2[%dma_wait3A_120, %dma_wait3A_121] : memref<8192x1024xf32, #tpu.memory_space<hbm>> -> memref<8192x1024xf32, #tpu.memory_space<hbm>>
      tpu.wait_indirect_dma semaphore(%arg19 : memref<!tpu.dma_semaphore, #tpu.memory_space<semaphore_mem>>) src(%dma_wait3A_122 : memref<8192x1024xf32, #tpu.memory_space<hbm>>) dst(%dma_wait3A_116 : memref<16x1024xf32, #tpu.memory_space<vmem>>)
      %parallel_loop3A = arith.constant 0 : i32
      %parallel_loop3A_123 = arith.constant 64 : i32
      %parallel_loop3A_124 = arith.constant 1 : i32
      scf.for %parallel_loop3A_229 = %parallel_loop3A to %parallel_loop3A_123 step %parallel_loop3A_124  : i32 {
        %parallel_loop3A_230 = arith.constant 16 : i32
        %parallel_loop3A_231 = arith.muli %parallel_loop3A_229, %parallel_loop3A_230 : i32
        %parallel_loop3A_232 = arith.constant 0 : i32
        %parallel_loop3A_233 = arith.constant 0 : i32
        %parallel_loop3A_234 = arith.index_cast %parallel_loop3A_232 : i32 to index
        %parallel_loop3A_235 = arith.index_cast %parallel_loop3A_233 : i32 to index
        %parallel_loop3A_236 = arith.index_cast %parallel_loop3A_231 : i32 to index
        %parallel_loop3A_237 = tpu.vector_load %arg15[%parallel_loop3A_234, %parallel_loop3A_235, %parallel_loop3A_236] {strides = array<i32>} : memref<2x16x1024xf32, #tpu.memory_space<vmem>>, vector<16xf32>,
        %parallel_loop3A_238 = arith.mulf %gather3A_61, %parallel_loop3A_237 : vector<16xf32>
        %parallel_loop3A_239 = arith.constant 0 : i32
        %parallel_loop3A_240 = arith.constant 1 : i32
        %parallel_loop3A_241 = arith.index_cast %parallel_loop3A_239 : i32 to index
        %parallel_loop3A_242 = arith.index_cast %parallel_loop3A_240 : i32 to index
        %parallel_loop3A_243 = arith.index_cast %parallel_loop3A_231 : i32 to index
        %parallel_loop3A_244 = tpu.vector_load %arg15[%parallel_loop3A_241, %parallel_loop3A_242, %parallel_loop3A_243] {strides = array<i32>} : memref<2x16x1024xf32, #tpu.memory_space<vmem>>, vector<16xf32>,
        %parallel_loop3A_245 = arith.mulf %gather3A_64, %parallel_loop3A_244 : vector<16xf32>
        %parallel_loop3A_246 = arith.addf %parallel_loop3A_238, %parallel_loop3A_245 : vector<16xf32>
        %parallel_loop3A_247 = arith.constant 0 : i32
        %parallel_loop3A_248 = arith.constant 2 : i32
        %parallel_loop3A_249 = arith.index_cast %parallel_loop3A_247 : i32 to index
        %parallel_loop3A_250 = arith.index_cast %parallel_loop3A_248 : i32 to index
        %parallel_loop3A_251 = arith.index_cast %parallel_loop3A_231 : i32 to index
        %parallel_loop3A_252 = tpu.vector_load %arg15[%parallel_loop3A_249, %parallel_loop3A_250, %parallel_loop3A_251] {strides = array<i32>} : memref<2x16x1024xf32, #tpu.memory_space<vmem>>, vector<16xf32>,
        %parallel_loop3A_253 = arith.mulf %gather3A_67, %parallel_loop3A_252 : vector<16xf32>
        %parallel_loop3A_254 = arith.addf %parallel_loop3A_246, %parallel_loop3A_253 : vector<16xf32>
        %parallel_loop3A_255 = arith.constant 0 : i32
        %parallel_loop3A_256 = arith.constant 3 : i32
        %parallel_loop3A_257 = arith.index_cast %parallel_loop3A_255 : i32 to index
        %parallel_loop3A_258 = arith.index_cast %parallel_loop3A_256 : i32 to index
        %parallel_loop3A_259 = arith.index_cast %parallel_loop3A_231 : i32 to index
        %parallel_loop3A_260 = tpu.vector_load %arg15[%parallel_loop3A_257, %parallel_loop3A_258, %parallel_loop3A_259] {strides = array<i32>} : memref<2x16x1024xf32, #tpu.memory_space<vmem>>, vector<16xf32>,
        %parallel_loop3A_261 = arith.mulf %gather3A_70, %parallel_loop3A_260 : vector<16xf32>
        %parallel_loop3A_262 = arith.addf %parallel_loop3A_254, %parallel_loop3A_261 : vector<16xf32>
        %parallel_loop3A_263 = arith.constant 0 : i32
        %parallel_loop3A_264 = arith.constant 4 : i32
        %parallel_loop3A_265 = arith.index_cast %parallel_loop3A_263 : i32 to index
        %parallel_loop3A_266 = arith.index_cast %parallel_loop3A_264 : i32 to index
        %parallel_loop3A_267 = arith.index_cast %parallel_loop3A_231 : i32 to index
        %parallel_loop3A_268 = tpu.vector_load %arg15[%parallel_loop3A_265, %parallel_loop3A_266, %parallel_loop3A_267] {strides = array<i32>} : memref<2x16x1024xf32, #tpu.memory_space<vmem>>, vector<16xf32>,
        %parallel_loop3A_269 = arith.mulf %gather3A_73, %parallel_loop3A_268 : vector<16xf32>
        %parallel_loop3A_270 = arith.constant 0 : i32
        %parallel_loop3A_271 = arith.constant 5 : i32
        %parallel_loop3A_272 = arith.index_cast %parallel_loop3A_270 : i32 to index
        %parallel_loop3A_273 = arith.index_cast %parallel_loop3A_271 : i32 to index
        %parallel_loop3A_274 = arith.index_cast %parallel_loop3A_231 : i32 to index
        %parallel_loop3A_275 = tpu.vector_load %arg15[%parallel_loop3A_272, %parallel_loop3A_273, %parallel_loop3A_274] {strides = array<i32>} : memref<2x16x1024xf32, #tpu.memory_space<vmem>>, vector<16xf32>,
        %parallel_loop3A_276 = arith.mulf %gather3A_76, %parallel_loop3A_275 : vector<16xf32>
        %parallel_loop3A_277 = arith.addf %parallel_loop3A_269, %parallel_loop3A_276 : vector<16xf32>
        %parallel_loop3A_278 = arith.constant 0 : i32
        %parallel_loop3A_279 = arith.constant 6 : i32
        %parallel_loop3A_280 = arith.index_cast %parallel_loop3A_278 : i32 to index
        %parallel_loop3A_281 = arith.index_cast %parallel_loop3A_279 : i32 to index
        %parallel_loop3A_282 = arith.index_cast %parallel_loop3A_231 : i32 to index
        %parallel_loop3A_283 = tpu.vector_load %arg15[%parallel_loop3A_280, %parallel_loop3A_281, %parallel_loop3A_282] {strides = array<i32>} : memref<2x16x1024xf32, #tpu.memory_space<vmem>>, vector<16xf32>,
        %parallel_loop3A_284 = arith.mulf %gather3A_79, %parallel_loop3A_283 : vector<16xf32>
        %parallel_loop3A_285 = arith.addf %parallel_loop3A_277, %parallel_loop3A_284 : vector<16xf32>
        %parallel_loop3A_286 = arith.constant 0 : i32
        %parallel_loop3A_287 = arith.constant 7 : i32
        %parallel_loop3A_288 = arith.index_cast %parallel_loop3A_286 : i32 to index
        %parallel_loop3A_289 = arith.index_cast %parallel_loop3A_287 : i32 to index
        %parallel_loop3A_290 = arith.index_cast %parallel_loop3A_231 : i32 to index
        %parallel_loop3A_291 = tpu.vector_load %arg15[%parallel_loop3A_288, %parallel_loop3A_289, %parallel_loop3A_290] {strides = array<i32>} : memref<2x16x1024xf32, #tpu.memory_space<vmem>>, vector<16xf32>,
        %parallel_loop3A_292 = arith.mulf %gather3A_82, %parallel_loop3A_291 : vector<16xf32>
        %parallel_loop3A_293 = arith.addf %parallel_loop3A_285, %parallel_loop3A_292 : vector<16xf32>
        %parallel_loop3A_294 = arith.constant 0 : i32
        %parallel_loop3A_295 = arith.constant 8 : i32
        %parallel_loop3A_296 = arith.index_cast %parallel_loop3A_294 : i32 to index
        %parallel_loop3A_297 = arith.index_cast %parallel_loop3A_295 : i32 to index
        %parallel_loop3A_298 = arith.index_cast %parallel_loop3A_231 : i32 to index
        %parallel_loop3A_299 = tpu.vector_load %arg15[%parallel_loop3A_296, %parallel_loop3A_297, %parallel_loop3A_298] {strides = array<i32>} : memref<2x16x1024xf32, #tpu.memory_space<vmem>>, vector<16xf32>,
        %parallel_loop3A_300 = arith.mulf %gather3A_85, %parallel_loop3A_299 : vector<16xf32>
        %parallel_loop3A_301 = arith.constant 0 : i32
        %parallel_loop3A_302 = arith.constant 9 : i32
        %parallel_loop3A_303 = arith.index_cast %parallel_loop3A_301 : i32 to index
        %parallel_loop3A_304 = arith.index_cast %parallel_loop3A_302 : i32 to index
        %parallel_loop3A_305 = arith.index_cast %parallel_loop3A_231 : i32 to index
        %parallel_loop3A_306 = tpu.vector_load %arg15[%parallel_loop3A_303, %parallel_loop3A_304, %parallel_loop3A_305] {strides = array<i32>} : memref<2x16x1024xf32, #tpu.memory_space<vmem>>, vector<16xf32>,
        %parallel_loop3A_307 = arith.mulf %gather3A_88, %parallel_loop3A_306 : vector<16xf32>
        %parallel_loop3A_308 = arith.addf %parallel_loop3A_300, %parallel_loop3A_307 : vector<16xf32>
        %parallel_loop3A_309 = arith.constant 0 : i32
        %parallel_loop3A_310 = arith.constant 10 : i32
        %parallel_loop3A_311 = arith.index_cast %parallel_loop3A_309 : i32 to index
        %parallel_loop3A_312 = arith.index_cast %parallel_loop3A_310 : i32 to index
        %parallel_loop3A_313 = arith.index_cast %parallel_loop3A_231 : i32 to index
        %parallel_loop3A_314 = tpu.vector_load %arg15[%parallel_loop3A_311, %parallel_loop3A_312, %parallel_loop3A_313] {strides = array<i32>} : memref<2x16x1024xf32, #tpu.memory_space<vmem>>, vector<16xf32>,
        %parallel_loop3A_315 = arith.mulf %gather3A_91, %parallel_loop3A_314 : vector<16xf32>
        %parallel_loop3A_316 = arith.addf %parallel_loop3A_308, %parallel_loop3A_315 : vector<16xf32>
        %parallel_loop3A_317 = arith.constant 0 : i32
        %parallel_loop3A_318 = arith.constant 11 : i32
        %parallel_loop3A_319 = arith.index_cast %parallel_loop3A_317 : i32 to index
        %parallel_loop3A_320 = arith.index_cast %parallel_loop3A_318 : i32 to index
        %parallel_loop3A_321 = arith.index_cast %parallel_loop3A_231 : i32 to index
        %parallel_loop3A_322 = tpu.vector_load %arg15[%parallel_loop3A_319, %parallel_loop3A_320, %parallel_loop3A_321] {strides = array<i32>} : memref<2x16x1024xf32, #tpu.memory_space<vmem>>, vector<16xf32>,
        %parallel_loop3A_323 = arith.mulf %gather3A_94, %parallel_loop3A_322 : vector<16xf32>
        %parallel_loop3A_324 = arith.addf %parallel_loop3A_316, %parallel_loop3A_323 : vector<16xf32>
        %parallel_loop3A_325 = arith.constant 0 : i32
        %parallel_loop3A_326 = arith.constant 12 : i32
        %parallel_loop3A_327 = arith.index_cast %parallel_loop3A_325 : i32 to index
        %parallel_loop3A_328 = arith.index_cast %parallel_loop3A_326 : i32 to index
        %parallel_loop3A_329 = arith.index_cast %parallel_loop3A_231 : i32 to index
        %parallel_loop3A_330 = tpu.vector_load %arg15[%parallel_loop3A_327, %parallel_loop3A_328, %parallel_loop3A_329] {strides = array<i32>} : memref<2x16x1024xf32, #tpu.memory_space<vmem>>, vector<16xf32>,
        %parallel_loop3A_331 = arith.mulf %gather3A_97, %parallel_loop3A_330 : vector<16xf32>
        %parallel_loop3A_332 = arith.constant 0 : i32
        %parallel_loop3A_333 = arith.constant 13 : i32
        %parallel_loop3A_334 = arith.index_cast %parallel_loop3A_332 : i32 to index
        %parallel_loop3A_335 = arith.index_cast %parallel_loop3A_333 : i32 to index
        %parallel_loop3A_336 = arith.index_cast %parallel_loop3A_231 : i32 to index
        %parallel_loop3A_337 = tpu.vector_load %arg15[%parallel_loop3A_334, %parallel_loop3A_335, %parallel_loop3A_336] {strides = array<i32>} : memref<2x16x1024xf32, #tpu.memory_space<vmem>>, vector<16xf32>,
        %parallel_loop3A_338 = arith.mulf %gather3A_100, %parallel_loop3A_337 : vector<16xf32>
        %parallel_loop3A_339 = arith.addf %parallel_loop3A_331, %parallel_loop3A_338 : vector<16xf32>
        %parallel_loop3A_340 = arith.constant 0 : i32
        %parallel_loop3A_341 = arith.constant 14 : i32
        %parallel_loop3A_342 = arith.index_cast %parallel_loop3A_340 : i32 to index
        %parallel_loop3A_343 = arith.index_cast %parallel_loop3A_341 : i32 to index
        %parallel_loop3A_344 = arith.index_cast %parallel_loop3A_231 : i32 to index
        %parallel_loop3A_345 = tpu.vector_load %arg15[%parallel_loop3A_342, %parallel_loop3A_343, %parallel_loop3A_344] {strides = array<i32>} : memref<2x16x1024xf32, #tpu.memory_space<vmem>>, vector<16xf32>,
        %parallel_loop3A_346 = arith.mulf %gather3A_103, %parallel_loop3A_345 : vector<16xf32>
        %parallel_loop3A_347 = arith.addf %parallel_loop3A_339, %parallel_loop3A_346 : vector<16xf32>
        %parallel_loop3A_348 = arith.constant 0 : i32
        %parallel_loop3A_349 = arith.constant 15 : i32
        %parallel_loop3A_350 = arith.index_cast %parallel_loop3A_348 : i32 to index
        %parallel_loop3A_351 = arith.index_cast %parallel_loop3A_349 : i32 to index
        %parallel_loop3A_352 = arith.index_cast %parallel_loop3A_231 : i32 to index
        %parallel_loop3A_353 = tpu.vector_load %arg15[%parallel_loop3A_350, %parallel_loop3A_351, %parallel_loop3A_352] {strides = array<i32>} : memref<2x16x1024xf32, #tpu.memory_space<vmem>>, vector<16xf32>,
        %parallel_loop3A_354 = arith.mulf %gather3A_106, %parallel_loop3A_353 : vector<16xf32>
        %parallel_loop3A_355 = arith.addf %parallel_loop3A_347, %parallel_loop3A_354 : vector<16xf32>
        %parallel_loop3A_356 = arith.addf %parallel_loop3A_262, %parallel_loop3A_293 : vector<16xf32>
        %parallel_loop3A_357 = arith.addf %parallel_loop3A_324, %parallel_loop3A_355 : vector<16xf32>
        %parallel_loop3A_358 = arith.addf %parallel_loop3A_356, %parallel_loop3A_357 : vector<16xf32>
        %parallel_loop3A_359 = arith.addf %parallel_loop3A_358, %mul3A_112 : vector<16xf32>
        %parallel_loop3A_360 = vector.bitcast %parallel_loop3A_359 : vector<16xf32> to vector<16xi32>
        %parallel_loop3A_361 = arith.constant -2147483648 : i32
        %parallel_loop3A_362 = vector.broadcast %parallel_loop3A_361 : i32 to vector<16xi32>
        %parallel_loop3A_363 = arith.andi %parallel_loop3A_360, %parallel_loop3A_362 : vector<16xi32>
        %parallel_loop3A_364 = arith.constant 2147483647 : i32
        %parallel_loop3A_365 = vector.broadcast %parallel_loop3A_364 : i32 to vector<16xi32>
        %parallel_loop3A_366 = arith.andi %parallel_loop3A_360, %parallel_loop3A_365 : vector<16xi32>
        %parallel_loop3A_367 = vector.bitcast %parallel_loop3A_366 : vector<16xi32> to vector<16xf32>
        %parallel_loop3A_368 = arith.constant -2.000000e+00 : f32
        %parallel_loop3A_369 = vector.broadcast %parallel_loop3A_368 : f32 to vector<16xf32>
        %parallel_loop3A_370 = arith.mulf %parallel_loop3A_369, %parallel_loop3A_367 : vector<16xf32>
        %parallel_loop3A_371 = math.exp %parallel_loop3A_370 : vector<16xf32>
        %parallel_loop3A_372 = arith.constant 1.000000e+00 : f32
        %parallel_loop3A_373 = vector.broadcast %parallel_loop3A_372 : f32 to vector<16xf32>
        %parallel_loop3A_374 = arith.subf %parallel_loop3A_373, %parallel_loop3A_371 : vector<16xf32>
        %parallel_loop3A_375 = arith.constant 1.000000e+00 : f32
        %parallel_loop3A_376 = vector.broadcast %parallel_loop3A_375 : f32 to vector<16xf32>
        %parallel_loop3A_377 = arith.addf %parallel_loop3A_376, %parallel_loop3A_371 : vector<16xf32>
        %parallel_loop3A_378 = arith.divf %parallel_loop3A_374, %parallel_loop3A_377 : vector<16xf32>
        %parallel_loop3A_379 = vector.bitcast %parallel_loop3A_378 : vector<16xf32> to vector<16xi32>
        %parallel_loop3A_380 = arith.ori %parallel_loop3A_379, %parallel_loop3A_363 : vector<16xi32>
        %parallel_loop3A_381 = vector.bitcast %parallel_loop3A_380 : vector<16xi32> to vector<16xf32>
        %parallel_loop3A_382 = arith.index_cast %add3A_44 : i32 to index
        %parallel_loop3A_383 = arith.index_cast %parallel_loop3A_231 : i32 to index
        %parallel_loop3A_384 = tpu.vector_load %arg16[%parallel_loop3A_382, %parallel_loop3A_383] {strides = array<i32>} : memref<64x1024xf32, #tpu.memory_space<vmem>>, vector<16xf32>,
        tpu.vector_store %arg16[%parallel_loop3A_382, %parallel_loop3A_383], %parallel_loop3A_381 {strides = array<i32>} : memref<64x1024xf32, #tpu.memory_space<vmem>>, vector<16xf32>,
      } {sc.loop_unroll_factor = 4 : i64, sc.parallel_access}
      %add3A_125 = arith.constant 2 : i32
      %add3A_126 = arith.addi %add3A_44, %add3A_125 : i32
      %lt3A = arith.constant 64 : i32
      %lt3A_127 = arith.cmpi slt, %add3A_126, %lt3A : i32
      %convert_element_type3A_128 = arith.extui %lt3A_127 : i1 to i32
      %cond3A = arith.constant 0 : i32
      %cond3A_129 = arith.cmpi ne, %convert_element_type3A_128, %cond3A : i32
      scf.if %cond3A_129 {
        %add3A_229 = arith.constant 2 : i32
        %add3A_230 = arith.addi %add3A_44, %add3A_229 : i32
        %dma_start3A_231 = arith.constant 0 : i32
        %dma_start3A_232 = arith.constant 0 : i32
        %dma_start3A_233 = arith.constant 0 : i32
        %dma_start3A_234 = tpu.memref_slice %arg15[%dma_start3A_231, %dma_start3A_232, %dma_start3A_233] : memref<2x16x1024xf32, #tpu.memory_space<vmem>> -> memref<1x16x1024xf32, #tpu.memory_space<vmem>>
        %dma_start3A_235 = tpu.memref_squeeze %dma_start3A_234 : memref<1x16x1024xf32, #tpu.memory_space<vmem>> -> memref<16x1024xf32, #tpu.memory_space<vmem>>
        %dma_start3A_236 = arith.constant 0 : i32
        %dma_start3A_237 = tpu.memref_slice %arg11[%add3A_230, %dma_start3A_236] : memref<64x16xi32, #tpu.memory_space<vmem>> -> memref<1x16xi32, #tpu.memory_space<vmem>>
        %dma_start3A_238 = tpu.memref_squeeze %dma_start3A_237 : memref<1x16xi32, #tpu.memory_space<vmem>> -> memref<16xi32, #tpu.memory_space<vmem>>
        %dma_start3A_239 = arith.constant 0 : i32
        %dma_start3A_240 = arith.constant 0 : i32
        %dma_start3A_241 = tpu.memref_slice %arg2[%dma_start3A_239, %dma_start3A_240] : memref<8192x1024xf32, #tpu.memory_space<hbm>> -> memref<8192x1024xf32, #tpu.memory_space<hbm>>
        tpu.enqueue_indirect_dma source(%dma_start3A_241 : memref<8192x1024xf32, #tpu.memory_space<hbm>>) target(%dma_start3A_235 : memref<16x1024xf32, #tpu.memory_space<vmem>>) offsets(%dma_start3A_238 : memref<16xi32, #tpu.memory_space<vmem>>) semaphore(%arg19 : memref<!tpu.dma_semaphore, #tpu.memory_space<semaphore_mem>>)
      } else {
      }
      %add3A_130 = arith.constant 1 : i32
      %add3A_131 = arith.addi %mul3A_42, %add3A_130 : i32
      %get3A_132 = arith.index_cast %add3A_131 : i32 to index
      %get3A_133 = arith.constant 0 : index
      %get3A_134 = tpu.vector_load %arg11[%get3A_132, %get3A_133] {strides = array<i32>} : memref<64x16xi32, #tpu.memory_space<vmem>>, vector<16xi32>,
      %gather3A_135 = tpu.vector_load_idx %arg10[%get3A_134] : memref<8192xi32, #tpu.memory_space<vmem>>[vector<16xi32>], vector<16xi32>,
      %reduce_sum3A_136 = arith.constant true
      %reduce_sum3A_137 = vector.broadcast %reduce_sum3A_136 : i1 to vector<16xi1>
      %reduce_sum3A_138 = tpu.scan <sum>, %gather3A_135 masked %reduce_sum3A_137 : vector<16xi32>, vector<16xi1> -> vector<16xi32>
      %reduce_sum3A_139 = vector.extract %reduce_sum3A_138[15] : i32 from vector<16xi32>
      %ge3A_140 = arith.constant 12 : i32
      %ge3A_141 = arith.cmpi sge, %reduce_sum3A_139, %ge3A_140 : i32
      %convert_element_type3A_142 = arith.extui %ge3A_141 : i1 to i32
      %convert_element_type3A_143 = arith.sitofp %convert_element_type3A_142 : i32 to f32
      %broadcast_in_dim3A_144 = vector.broadcast %convert_element_type3A_143 : f32 to vector<16xf32>
      %get3A_145 = arith.index_cast %add3A_131 : i32 to index
      %get3A_146 = arith.constant 0 : index
      %get3A_147 = tpu.vector_load %arg13[%get3A_145, %get3A_146] {strides = array<i32>} : memref<64x16xf32, #tpu.memory_space<vmem>>, vector<16xf32>,
      %convert_element_type3A_148 = arith.sitofp %gather3A_135 : vector<16xi32> to vector<16xf32>
      %mul3A_149 = arith.mulf %get3A_147, %convert_element_type3A_148 : vector<16xf32>
      %mul3A_150 = arith.mulf %mul3A_149, %broadcast_in_dim3A_144 : vector<16xf32>
      %swap3A_151 = arith.constant 16 : index
      %swap3A_152 = tpu.vector_load %arg18[%swap3A_151] {strides = array<i32>} : memref<32xf32, #tpu.memory_space<vmem>>, vector<16xf32>,
      tpu.vector_store %arg18[%swap3A_151], %mul3A_150 {strides = array<i32>} : memref<32xf32, #tpu.memory_space<vmem>>, vector<16xf32>,
      %broadcast_in_dim3A_153 = arith.constant 16 : i32
      %broadcast_in_dim3A_154 = vector.broadcast %broadcast_in_dim3A_153 : i32 to vector<16xi32>
      %gather3A_155 = tpu.vector_load_idx %arg18[%broadcast_in_dim3A_154] : memref<32xf32, #tpu.memory_space<vmem>>[vector<16xi32>], vector<16xf32>,
      %broadcast_in_dim3A_156 = arith.constant 17 : i32
      %broadcast_in_dim3A_157 = vector.broadcast %broadcast_in_dim3A_156 : i32 to vector<16xi32>
      %gather3A_158 = tpu.vector_load_idx %arg18[%broadcast_in_dim3A_157] : memref<32xf32, #tpu.memory_space<vmem>>[vector<16xi32>], vector<16xf32>,
      %broadcast_in_dim3A_159 = arith.constant 18 : i32
      %broadcast_in_dim3A_160 = vector.broadcast %broadcast_in_dim3A_159 : i32 to vector<16xi32>
      %gather3A_161 = tpu.vector_load_idx %arg18[%broadcast_in_dim3A_160] : memref<32xf32, #tpu.memory_space<vmem>>[vector<16xi32>], vector<16xf32>,
      %broadcast_in_dim3A_162 = arith.constant 19 : i32
      %broadcast_in_dim3A_163 = vector.broadcast %broadcast_in_dim3A_162 : i32 to vector<16xi32>
      %gather3A_164 = tpu.vector_load_idx %arg18[%broadcast_in_dim3A_163] : memref<32xf32, #tpu.memory_space<vmem>>[vector<16xi32>], vector<16xf32>,
      %broadcast_in_dim3A_165 = arith.constant 20 : i32
      %broadcast_in_dim3A_166 = vector.broadcast %broadcast_in_dim3A_165 : i32 to vector<16xi32>
      %gather3A_167 = tpu.vector_load_idx %arg18[%broadcast_in_dim3A_166] : memref<32xf32, #tpu.memory_space<vmem>>[vector<16xi32>], vector<16xf32>,
      %broadcast_in_dim3A_168 = arith.constant 21 : i32
      %broadcast_in_dim3A_169 = vector.broadcast %broadcast_in_dim3A_168 : i32 to vector<16xi32>
      %gather3A_170 = tpu.vector_load_idx %arg18[%broadcast_in_dim3A_169] : memref<32xf32, #tpu.memory_space<vmem>>[vector<16xi32>], vector<16xf32>,
      %broadcast_in_dim3A_171 = arith.constant 22 : i32
      %broadcast_in_dim3A_172 = vector.broadcast %broadcast_in_dim3A_171 : i32 to vector<16xi32>
      %gather3A_173 = tpu.vector_load_idx %arg18[%broadcast_in_dim3A_172] : memref<32xf32, #tpu.memory_space<vmem>>[vector<16xi32>], vector<16xf32>,
      %broadcast_in_dim3A_174 = arith.constant 23 : i32
      %broadcast_in_dim3A_175 = vector.broadcast %broadcast_in_dim3A_174 : i32 to vector<16xi32>
      %gather3A_176 = tpu.vector_load_idx %arg18[%broadcast_in_dim3A_175] : memref<32xf32, #tpu.memory_space<vmem>>[vector<16xi32>], vector<16xf32>,
      %broadcast_in_dim3A_177 = arith.constant 24 : i32
      %broadcast_in_dim3A_178 = vector.broadcast %broadcast_in_dim3A_177 : i32 to vector<16xi32>
      %gather3A_179 = tpu.vector_load_idx %arg18[%broadcast_in_dim3A_178] : memref<32xf32, #tpu.memory_space<vmem>>[vector<16xi32>], vector<16xf32>,
      %broadcast_in_dim3A_180 = arith.constant 25 : i32
      %broadcast_in_dim3A_181 = vector.broadcast %broadcast_in_dim3A_180 : i32 to vector<16xi32>
      %gather3A_182 = tpu.vector_load_idx %arg18[%broadcast_in_dim3A_181] : memref<32xf32, #tpu.memory_space<vmem>>[vector<16xi32>], vector<16xf32>,
      %broadcast_in_dim3A_183 = arith.constant 26 : i32
      %broadcast_in_dim3A_184 = vector.broadcast %broadcast_in_dim3A_183 : i32 to vector<16xi32>
      %gather3A_185 = tpu.vector_load_idx %arg18[%broadcast_in_dim3A_184] : memref<32xf32, #tpu.memory_space<vmem>>[vector<16xi32>], vector<16xf32>,
      %broadcast_in_dim3A_186 = arith.constant 27 : i32
      %broadcast_in_dim3A_187 = vector.broadcast %broadcast_in_dim3A_186 : i32 to vector<16xi32>
      %gather3A_188 = tpu.vector_load_idx %arg18[%broadcast_in_dim3A_187] : memref<32xf32, #tpu.memory_space<vmem>>[vector<16xi32>], vector<16xf32>,
      %broadcast_in_dim3A_189 = arith.constant 28 : i32
      %broadcast_in_dim3A_190 = vector.broadcast %broadcast_in_dim3A_189 : i32 to vector<16xi32>
      %gather3A_191 = tpu.vector_load_idx %arg18[%broadcast_in_dim3A_190] : memref<32xf32, #tpu.memory_space<vmem>>[vector<16xi32>], vector<16xf32>,
      %broadcast_in_dim3A_192 = arith.constant 29 : i32
      %broadcast_in_dim3A_193 = vector.broadcast %broadcast_in_dim3A_192 : i32 to vector<16xi32>
      %gather3A_194 = tpu.vector_load_idx %arg18[%broadcast_in_dim3A_193] : memref<32xf32, #tpu.memory_space<vmem>>[vector<16xi32>], vector<16xf32>,
      %broadcast_in_dim3A_195 = arith.constant 30 : i32
      %broadcast_in_dim3A_196 = vector.broadcast %broadcast_in_dim3A_195 : i32 to vector<16xi32>
      %gather3A_197 = tpu.vector_load_idx %arg18[%broadcast_in_dim3A_196] : memref<32xf32, #tpu.memory_space<vmem>>[vector<16xi32>], vector<16xf32>,
      %broadcast_in_dim3A_198 = arith.constant 31 : i32
      %broadcast_in_dim3A_199 = vector.broadcast %broadcast_in_dim3A_198 : i32 to vector<16xi32>
      %gather3A_200 = tpu.vector_load_idx %arg18[%broadcast_in_dim3A_199] : memref<32xf32, #tpu.memory_space<vmem>>[vector<16xi32>], vector<16xf32>,
      %broadcast_in_dim3A_201 = arith.constant 0 : i32
      %broadcast_in_dim3A_202 = vector.broadcast %broadcast_in_dim3A_201 : i32 to vector<16xi32>
      %add3A_203 = vector.broadcast %add3A_131 : i32 to vector<16xi32>
      %add3A_204 = arith.addi %broadcast_in_dim3A_202, %add3A_203 : vector<16xi32>
      %gather3A_205 = tpu.vector_load_idx %arg14[%add3A_204] : memref<64xf32, #tpu.memory_space<vmem>>[vector<16xi32>], vector<16xf32>,
      %mul3A_206 = arith.mulf %gather3A_205, %broadcast_in_dim3A_144 : vector<16xf32>
      %dma_wait3A_207 = arith.constant 1 : i32
      %dma_wait3A_208 = arith.constant 0 : i32
      %dma_wait3A_209 = arith.constant 0 : i32
      %dma_wait3A_210 = tpu.memref_slice %arg15[%dma_wait3A_207, %dma_wait3A_208, %dma_wait3A_209] : memref<2x16x1024xf32, #tpu.memory_space<vmem>> -> memref<1x16x1024xf32, #tpu.memory_space<vmem>>
      %dma_wait3A_211 = tpu.memref_squeeze %dma_wait3A_210 : memref<1x16x1024xf32, #tpu.memory_space<vmem>> -> memref<16x1024xf32, #tpu.memory_space<vmem>>
      %dma_wait3A_212 = arith.constant 0 : i32
      %dma_wait3A_213 = tpu.memref_slice %arg11[%add3A_131, %dma_wait3A_212] : memref<64x16xi32, #tpu.memory_space<vmem>> -> memref<1x16xi32, #tpu.memory_space<vmem>>
      %dma_wait3A_214 = tpu.memref_squeeze %dma_wait3A_213 : memref<1x16xi32, #tpu.memory_space<vmem>> -> memref<16xi32, #tpu.memory_space<vmem>>
      %dma_wait3A_215 = arith.constant 0 : i32
      %dma_wait3A_216 = arith.constant 0 : i32
      %dma_wait3A_217 = tpu.memref_slice %arg2[%dma_wait3A_215, %dma_wait3A_216] : memref<8192x1024xf32, #tpu.memory_space<hbm>> -> memref<8192x1024xf32, #tpu.memory_space<hbm>>
      tpu.wait_indirect_dma semaphore(%arg20 : memref<!tpu.dma_semaphore, #tpu.memory_space<semaphore_mem>>) src(%dma_wait3A_217 : memref<8192x1024xf32, #tpu.memory_space<hbm>>) dst(%dma_wait3A_211 : memref<16x1024xf32, #tpu.memory_space<vmem>>)
      %parallel_loop3A_218 = arith.constant 0 : i32
      %parallel_loop3A_219 = arith.constant 64 : i32
      %parallel_loop3A_220 = arith.constant 1 : i32
      scf.for %parallel_loop3A_229 = %parallel_loop3A_218 to %parallel_loop3A_219 step %parallel_loop3A_220  : i32 {
        %parallel_loop3A_230 = arith.constant 16 : i32
        %parallel_loop3A_231 = arith.muli %parallel_loop3A_229, %parallel_loop3A_230 : i32
        %parallel_loop3A_232 = arith.constant 1 : i32
        %parallel_loop3A_233 = arith.constant 0 : i32
        %parallel_loop3A_234 = arith.index_cast %parallel_loop3A_232 : i32 to index
        %parallel_loop3A_235 = arith.index_cast %parallel_loop3A_233 : i32 to index
        %parallel_loop3A_236 = arith.index_cast %parallel_loop3A_231 : i32 to index
        %parallel_loop3A_237 = tpu.vector_load %arg15[%parallel_loop3A_234, %parallel_loop3A_235, %parallel_loop3A_236] {strides = array<i32>} : memref<2x16x1024xf32, #tpu.memory_space<vmem>>, vector<16xf32>,
        %parallel_loop3A_238 = arith.mulf %gather3A_155, %parallel_loop3A_237 : vector<16xf32>
        %parallel_loop3A_239 = arith.constant 1 : i32
        %parallel_loop3A_240 = arith.constant 1 : i32
        %parallel_loop3A_241 = arith.index_cast %parallel_loop3A_239 : i32 to index
        %parallel_loop3A_242 = arith.index_cast %parallel_loop3A_240 : i32 to index
        %parallel_loop3A_243 = arith.index_cast %parallel_loop3A_231 : i32 to index
        %parallel_loop3A_244 = tpu.vector_load %arg15[%parallel_loop3A_241, %parallel_loop3A_242, %parallel_loop3A_243] {strides = array<i32>} : memref<2x16x1024xf32, #tpu.memory_space<vmem>>, vector<16xf32>,
        %parallel_loop3A_245 = arith.mulf %gather3A_158, %parallel_loop3A_244 : vector<16xf32>
        %parallel_loop3A_246 = arith.addf %parallel_loop3A_238, %parallel_loop3A_245 : vector<16xf32>
        %parallel_loop3A_247 = arith.constant 1 : i32
        %parallel_loop3A_248 = arith.constant 2 : i32
        %parallel_loop3A_249 = arith.index_cast %parallel_loop3A_247 : i32 to index
        %parallel_loop3A_250 = arith.index_cast %parallel_loop3A_248 : i32 to index
        %parallel_loop3A_251 = arith.index_cast %parallel_loop3A_231 : i32 to index
        %parallel_loop3A_252 = tpu.vector_load %arg15[%parallel_loop3A_249, %parallel_loop3A_250, %parallel_loop3A_251] {strides = array<i32>} : memref<2x16x1024xf32, #tpu.memory_space<vmem>>, vector<16xf32>,
        %parallel_loop3A_253 = arith.mulf %gather3A_161, %parallel_loop3A_252 : vector<16xf32>
        %parallel_loop3A_254 = arith.addf %parallel_loop3A_246, %parallel_loop3A_253 : vector<16xf32>
        %parallel_loop3A_255 = arith.constant 1 : i32
        %parallel_loop3A_256 = arith.constant 3 : i32
        %parallel_loop3A_257 = arith.index_cast %parallel_loop3A_255 : i32 to index
        %parallel_loop3A_258 = arith.index_cast %parallel_loop3A_256 : i32 to index
        %parallel_loop3A_259 = arith.index_cast %parallel_loop3A_231 : i32 to index
        %parallel_loop3A_260 = tpu.vector_load %arg15[%parallel_loop3A_257, %parallel_loop3A_258, %parallel_loop3A_259] {strides = array<i32>} : memref<2x16x1024xf32, #tpu.memory_space<vmem>>, vector<16xf32>,
        %parallel_loop3A_261 = arith.mulf %gather3A_164, %parallel_loop3A_260 : vector<16xf32>
        %parallel_loop3A_262 = arith.addf %parallel_loop3A_254, %parallel_loop3A_261 : vector<16xf32>
        %parallel_loop3A_263 = arith.constant 1 : i32
        %parallel_loop3A_264 = arith.constant 4 : i32
        %parallel_loop3A_265 = arith.index_cast %parallel_loop3A_263 : i32 to index
        %parallel_loop3A_266 = arith.index_cast %parallel_loop3A_264 : i32 to index
        %parallel_loop3A_267 = arith.index_cast %parallel_loop3A_231 : i32 to index
        %parallel_loop3A_268 = tpu.vector_load %arg15[%parallel_loop3A_265, %parallel_loop3A_266, %parallel_loop3A_267] {strides = array<i32>} : memref<2x16x1024xf32, #tpu.memory_space<vmem>>, vector<16xf32>,
        %parallel_loop3A_269 = arith.mulf %gather3A_167, %parallel_loop3A_268 : vector<16xf32>
        %parallel_loop3A_270 = arith.constant 1 : i32
        %parallel_loop3A_271 = arith.constant 5 : i32
        %parallel_loop3A_272 = arith.index_cast %parallel_loop3A_270 : i32 to index
        %parallel_loop3A_273 = arith.index_cast %parallel_loop3A_271 : i32 to index
        %parallel_loop3A_274 = arith.index_cast %parallel_loop3A_231 : i32 to index
        %parallel_loop3A_275 = tpu.vector_load %arg15[%parallel_loop3A_272, %parallel_loop3A_273, %parallel_loop3A_274] {strides = array<i32>} : memref<2x16x1024xf32, #tpu.memory_space<vmem>>, vector<16xf32>,
        %parallel_loop3A_276 = arith.mulf %gather3A_170, %parallel_loop3A_275 : vector<16xf32>
        %parallel_loop3A_277 = arith.addf %parallel_loop3A_269, %parallel_loop3A_276 : vector<16xf32>
        %parallel_loop3A_278 = arith.constant 1 : i32
        %parallel_loop3A_279 = arith.constant 6 : i32
        %parallel_loop3A_280 = arith.index_cast %parallel_loop3A_278 : i32 to index
        %parallel_loop3A_281 = arith.index_cast %parallel_loop3A_279 : i32 to index
        %parallel_loop3A_282 = arith.index_cast %parallel_loop3A_231 : i32 to index
        %parallel_loop3A_283 = tpu.vector_load %arg15[%parallel_loop3A_280, %parallel_loop3A_281, %parallel_loop3A_282] {strides = array<i32>} : memref<2x16x1024xf32, #tpu.memory_space<vmem>>, vector<16xf32>,
        %parallel_loop3A_284 = arith.mulf %gather3A_173, %parallel_loop3A_283 : vector<16xf32>
        %parallel_loop3A_285 = arith.addf %parallel_loop3A_277, %parallel_loop3A_284 : vector<16xf32>
        %parallel_loop3A_286 = arith.constant 1 : i32
        %parallel_loop3A_287 = arith.constant 7 : i32
        %parallel_loop3A_288 = arith.index_cast %parallel_loop3A_286 : i32 to index
        %parallel_loop3A_289 = arith.index_cast %parallel_loop3A_287 : i32 to index
        %parallel_loop3A_290 = arith.index_cast %parallel_loop3A_231 : i32 to index
        %parallel_loop3A_291 = tpu.vector_load %arg15[%parallel_loop3A_288, %parallel_loop3A_289, %parallel_loop3A_290] {strides = array<i32>} : memref<2x16x1024xf32, #tpu.memory_space<vmem>>, vector<16xf32>,
        %parallel_loop3A_292 = arith.mulf %gather3A_176, %parallel_loop3A_291 : vector<16xf32>
        %parallel_loop3A_293 = arith.addf %parallel_loop3A_285, %parallel_loop3A_292 : vector<16xf32>
        %parallel_loop3A_294 = arith.constant 1 : i32
        %parallel_loop3A_295 = arith.constant 8 : i32
        %parallel_loop3A_296 = arith.index_cast %parallel_loop3A_294 : i32 to index
        %parallel_loop3A_297 = arith.index_cast %parallel_loop3A_295 : i32 to index
        %parallel_loop3A_298 = arith.index_cast %parallel_loop3A_231 : i32 to index
        %parallel_loop3A_299 = tpu.vector_load %arg15[%parallel_loop3A_296, %parallel_loop3A_297, %parallel_loop3A_298] {strides = array<i32>} : memref<2x16x1024xf32, #tpu.memory_space<vmem>>, vector<16xf32>,
        %parallel_loop3A_300 = arith.mulf %gather3A_179, %parallel_loop3A_299 : vector<16xf32>
        %parallel_loop3A_301 = arith.constant 1 : i32
        %parallel_loop3A_302 = arith.constant 9 : i32
        %parallel_loop3A_303 = arith.index_cast %parallel_loop3A_301 : i32 to index
        %parallel_loop3A_304 = arith.index_cast %parallel_loop3A_302 : i32 to index
        %parallel_loop3A_305 = arith.index_cast %parallel_loop3A_231 : i32 to index
        %parallel_loop3A_306 = tpu.vector_load %arg15[%parallel_loop3A_303, %parallel_loop3A_304, %parallel_loop3A_305] {strides = array<i32>} : memref<2x16x1024xf32, #tpu.memory_space<vmem>>, vector<16xf32>,
        %parallel_loop3A_307 = arith.mulf %gather3A_182, %parallel_loop3A_306 : vector<16xf32>
        %parallel_loop3A_308 = arith.addf %parallel_loop3A_300, %parallel_loop3A_307 : vector<16xf32>
        %parallel_loop3A_309 = arith.constant 1 : i32
        %parallel_loop3A_310 = arith.constant 10 : i32
        %parallel_loop3A_311 = arith.index_cast %parallel_loop3A_309 : i32 to index
        %parallel_loop3A_312 = arith.index_cast %parallel_loop3A_310 : i32 to index
        %parallel_loop3A_313 = arith.index_cast %parallel_loop3A_231 : i32 to index
        %parallel_loop3A_314 = tpu.vector_load %arg15[%parallel_loop3A_311, %parallel_loop3A_312, %parallel_loop3A_313] {strides = array<i32>} : memref<2x16x1024xf32, #tpu.memory_space<vmem>>, vector<16xf32>,
        %parallel_loop3A_315 = arith.mulf %gather3A_185, %parallel_loop3A_314 : vector<16xf32>
        %parallel_loop3A_316 = arith.addf %parallel_loop3A_308, %parallel_loop3A_315 : vector<16xf32>
        %parallel_loop3A_317 = arith.constant 1 : i32
        %parallel_loop3A_318 = arith.constant 11 : i32
        %parallel_loop3A_319 = arith.index_cast %parallel_loop3A_317 : i32 to index
        %parallel_loop3A_320 = arith.index_cast %parallel_loop3A_318 : i32 to index
        %parallel_loop3A_321 = arith.index_cast %parallel_loop3A_231 : i32 to index
        %parallel_loop3A_322 = tpu.vector_load %arg15[%parallel_loop3A_319, %parallel_loop3A_320, %parallel_loop3A_321] {strides = array<i32>} : memref<2x16x1024xf32, #tpu.memory_space<vmem>>, vector<16xf32>,
        %parallel_loop3A_323 = arith.mulf %gather3A_188, %parallel_loop3A_322 : vector<16xf32>
        %parallel_loop3A_324 = arith.addf %parallel_loop3A_316, %parallel_loop3A_323 : vector<16xf32>
        %parallel_loop3A_325 = arith.constant 1 : i32
        %parallel_loop3A_326 = arith.constant 12 : i32
        %parallel_loop3A_327 = arith.index_cast %parallel_loop3A_325 : i32 to index
        %parallel_loop3A_328 = arith.index_cast %parallel_loop3A_326 : i32 to index
        %parallel_loop3A_329 = arith.index_cast %parallel_loop3A_231 : i32 to index
        %parallel_loop3A_330 = tpu.vector_load %arg15[%parallel_loop3A_327, %parallel_loop3A_328, %parallel_loop3A_329] {strides = array<i32>} : memref<2x16x1024xf32, #tpu.memory_space<vmem>>, vector<16xf32>,
        %parallel_loop3A_331 = arith.mulf %gather3A_191, %parallel_loop3A_330 : vector<16xf32>
        %parallel_loop3A_332 = arith.constant 1 : i32
        %parallel_loop3A_333 = arith.constant 13 : i32
        %parallel_loop3A_334 = arith.index_cast %parallel_loop3A_332 : i32 to index
        %parallel_loop3A_335 = arith.index_cast %parallel_loop3A_333 : i32 to index
        %parallel_loop3A_336 = arith.index_cast %parallel_loop3A_231 : i32 to index
        %parallel_loop3A_337 = tpu.vector_load %arg15[%parallel_loop3A_334, %parallel_loop3A_335, %parallel_loop3A_336] {strides = array<i32>} : memref<2x16x1024xf32, #tpu.memory_space<vmem>>, vector<16xf32>,
        %parallel_loop3A_338 = arith.mulf %gather3A_194, %parallel_loop3A_337 : vector<16xf32>
        %parallel_loop3A_339 = arith.addf %parallel_loop3A_331, %parallel_loop3A_338 : vector<16xf32>
        %parallel_loop3A_340 = arith.constant 1 : i32
        %parallel_loop3A_341 = arith.constant 14 : i32
        %parallel_loop3A_342 = arith.index_cast %parallel_loop3A_340 : i32 to index
        %parallel_loop3A_343 = arith.index_cast %parallel_loop3A_341 : i32 to index
        %parallel_loop3A_344 = arith.index_cast %parallel_loop3A_231 : i32 to index
        %parallel_loop3A_345 = tpu.vector_load %arg15[%parallel_loop3A_342, %parallel_loop3A_343, %parallel_loop3A_344] {strides = array<i32>} : memref<2x16x1024xf32, #tpu.memory_space<vmem>>, vector<16xf32>,
        %parallel_loop3A_346 = arith.mulf %gather3A_197, %parallel_loop3A_345 : vector<16xf32>
        %parallel_loop3A_347 = arith.addf %parallel_loop3A_339, %parallel_loop3A_346 : vector<16xf32>
        %parallel_loop3A_348 = arith.constant 1 : i32
        %parallel_loop3A_349 = arith.constant 15 : i32
        %parallel_loop3A_350 = arith.index_cast %parallel_loop3A_348 : i32 to index
        %parallel_loop3A_351 = arith.index_cast %parallel_loop3A_349 : i32 to index
        %parallel_loop3A_352 = arith.index_cast %parallel_loop3A_231 : i32 to index
        %parallel_loop3A_353 = tpu.vector_load %arg15[%parallel_loop3A_350, %parallel_loop3A_351, %parallel_loop3A_352] {strides = array<i32>} : memref<2x16x1024xf32, #tpu.memory_space<vmem>>, vector<16xf32>,
        %parallel_loop3A_354 = arith.mulf %gather3A_200, %parallel_loop3A_353 : vector<16xf32>
        %parallel_loop3A_355 = arith.addf %parallel_loop3A_347, %parallel_loop3A_354 : vector<16xf32>
        %parallel_loop3A_356 = arith.addf %parallel_loop3A_262, %parallel_loop3A_293 : vector<16xf32>
        %parallel_loop3A_357 = arith.addf %parallel_loop3A_324, %parallel_loop3A_355 : vector<16xf32>
        %parallel_loop3A_358 = arith.addf %parallel_loop3A_356, %parallel_loop3A_357 : vector<16xf32>
        %parallel_loop3A_359 = arith.addf %parallel_loop3A_358, %mul3A_206 : vector<16xf32>
        %parallel_loop3A_360 = vector.bitcast %parallel_loop3A_359 : vector<16xf32> to vector<16xi32>
        %parallel_loop3A_361 = arith.constant -2147483648 : i32
        %parallel_loop3A_362 = vector.broadcast %parallel_loop3A_361 : i32 to vector<16xi32>
        %parallel_loop3A_363 = arith.andi %parallel_loop3A_360, %parallel_loop3A_362 : vector<16xi32>
        %parallel_loop3A_364 = arith.constant 2147483647 : i32
        %parallel_loop3A_365 = vector.broadcast %parallel_loop3A_364 : i32 to vector<16xi32>
        %parallel_loop3A_366 = arith.andi %parallel_loop3A_360, %parallel_loop3A_365 : vector<16xi32>
        %parallel_loop3A_367 = vector.bitcast %parallel_loop3A_366 : vector<16xi32> to vector<16xf32>
        %parallel_loop3A_368 = arith.constant -2.000000e+00 : f32
        %parallel_loop3A_369 = vector.broadcast %parallel_loop3A_368 : f32 to vector<16xf32>
        %parallel_loop3A_370 = arith.mulf %parallel_loop3A_369, %parallel_loop3A_367 : vector<16xf32>
        %parallel_loop3A_371 = math.exp %parallel_loop3A_370 : vector<16xf32>
        %parallel_loop3A_372 = arith.constant 1.000000e+00 : f32
        %parallel_loop3A_373 = vector.broadcast %parallel_loop3A_372 : f32 to vector<16xf32>
        %parallel_loop3A_374 = arith.subf %parallel_loop3A_373, %parallel_loop3A_371 : vector<16xf32>
        %parallel_loop3A_375 = arith.constant 1.000000e+00 : f32
        %parallel_loop3A_376 = vector.broadcast %parallel_loop3A_375 : f32 to vector<16xf32>
        %parallel_loop3A_377 = arith.addf %parallel_loop3A_376, %parallel_loop3A_371 : vector<16xf32>
        %parallel_loop3A_378 = arith.divf %parallel_loop3A_374, %parallel_loop3A_377 : vector<16xf32>
        %parallel_loop3A_379 = vector.bitcast %parallel_loop3A_378 : vector<16xf32> to vector<16xi32>
        %parallel_loop3A_380 = arith.ori %parallel_loop3A_379, %parallel_loop3A_363 : vector<16xi32>
        %parallel_loop3A_381 = vector.bitcast %parallel_loop3A_380 : vector<16xi32> to vector<16xf32>
        %parallel_loop3A_382 = arith.index_cast %add3A_131 : i32 to index
        %parallel_loop3A_383 = arith.index_cast %parallel_loop3A_231 : i32 to index
        %parallel_loop3A_384 = tpu.vector_load %arg16[%parallel_loop3A_382, %parallel_loop3A_383] {strides = array<i32>} : memref<64x1024xf32, #tpu.memory_space<vmem>>, vector<16xf32>,
        tpu.vector_store %arg16[%parallel_loop3A_382, %parallel_loop3A_383], %parallel_loop3A_381 {strides = array<i32>} : memref<64x1024xf32, #tpu.memory_space<vmem>>, vector<16xf32>,
      } {sc.loop_unroll_factor = 4 : i64, sc.parallel_access}
      %add3A_221 = arith.constant 2 : i32
      %add3A_222 = arith.addi %add3A_131, %add3A_221 : i32
      %lt3A_223 = arith.constant 64 : i32
      %lt3A_224 = arith.cmpi slt, %add3A_222, %lt3A_223 : i32
      %convert_element_type3A_225 = arith.extui %lt3A_224 : i1 to i32
      %cond3A_226 = arith.constant 0 : i32
      %cond3A_227 = arith.cmpi ne, %convert_element_type3A_225, %cond3A_226 : i32
      scf.if %cond3A_227 {
        %add3A_229 = arith.constant 2 : i32
        %add3A_230 = arith.addi %add3A_131, %add3A_229 : i32
        %dma_start3A_231 = arith.constant 1 : i32
        %dma_start3A_232 = arith.constant 0 : i32
        %dma_start3A_233 = arith.constant 0 : i32
        %dma_start3A_234 = tpu.memref_slice %arg15[%dma_start3A_231, %dma_start3A_232, %dma_start3A_233] : memref<2x16x1024xf32, #tpu.memory_space<vmem>> -> memref<1x16x1024xf32, #tpu.memory_space<vmem>>
        %dma_start3A_235 = tpu.memref_squeeze %dma_start3A_234 : memref<1x16x1024xf32, #tpu.memory_space<vmem>> -> memref<16x1024xf32, #tpu.memory_space<vmem>>
        %dma_start3A_236 = arith.constant 0 : i32
        %dma_start3A_237 = tpu.memref_slice %arg11[%add3A_230, %dma_start3A_236] : memref<64x16xi32, #tpu.memory_space<vmem>> -> memref<1x16xi32, #tpu.memory_space<vmem>>
        %dma_start3A_238 = tpu.memref_squeeze %dma_start3A_237 : memref<1x16xi32, #tpu.memory_space<vmem>> -> memref<16xi32, #tpu.memory_space<vmem>>
        %dma_start3A_239 = arith.constant 0 : i32
        %dma_start3A_240 = arith.constant 0 : i32
        %dma_start3A_241 = tpu.memref_slice %arg2[%dma_start3A_239, %dma_start3A_240] : memref<8192x1024xf32, #tpu.memory_space<hbm>> -> memref<8192x1024xf32, #tpu.memory_space<hbm>>
        tpu.enqueue_indirect_dma source(%dma_start3A_241 : memref<8192x1024xf32, #tpu.memory_space<hbm>>) target(%dma_start3A_235 : memref<16x1024xf32, #tpu.memory_space<vmem>>) offsets(%dma_start3A_238 : memref<16xi32, #tpu.memory_space<vmem>>) semaphore(%arg20 : memref<!tpu.dma_semaphore, #tpu.memory_space<semaphore_mem>>)
      } else {
      }
      %scan3A_228 = arith.constant 0 : i32
      scf.yield %scan3A_228 : i32
    }
    %scan3A_38 = arith.constant 32 : i32
    "tpu.region"() ({
      %run_scoped3A = tpu.sem_alloc : memref<!tpu.dma_semaphore, #tpu.memory_space<semaphore_mem>>
      %dma_start3A_39 = arith.constant 0 : i32
      %dma_start3A_40 = tpu.memref_slice %arg8[%mul3A_2, %dma_start3A_39] : memref<2048x1024xf32, #tpu.memory_space<hbm>> -> memref<64x1024xf32, #tpu.memory_space<hbm>>
      %dma_start3A_41 = arith.constant 0 : i32
      %dma_start3A_42 = tpu.memref_slice %arg8[%mul3A_2, %dma_start3A_41] : memref<2048x1024xf32, #tpu.memory_space<hbm>> -> memref<64x1024xf32, #tpu.memory_space<hbm>>
      tpu.enqueue_dma source(%arg16 : memref<64x1024xf32, #tpu.memory_space<vmem>>) target(%dma_start3A_42 : memref<64x1024xf32, #tpu.memory_space<hbm>>) target_semaphore(%run_scoped3A : memref<!tpu.dma_semaphore, #tpu.memory_space<semaphore_mem>>)
      %dma_wait3A = arith.constant 0 : i32
      %dma_wait3A_43 = tpu.memref_slice %arg8[%mul3A_2, %dma_wait3A] : memref<2048x1024xf32, #tpu.memory_space<hbm>> -> memref<64x1024xf32, #tpu.memory_space<hbm>>
      %dma_wait3A_44 = arith.constant 0 : i32
      %dma_wait3A_45 = tpu.memref_slice %arg8[%mul3A_2, %dma_wait3A_44] : memref<2048x1024xf32, #tpu.memory_space<hbm>> -> memref<64x1024xf32, #tpu.memory_space<hbm>>
      tpu.wait_dma2 semaphore(%run_scoped3A : memref<!tpu.dma_semaphore, #tpu.memory_space<semaphore_mem>>) src(%arg16 : memref<64x1024xf32, #tpu.memory_space<vmem>>) dst(%dma_wait3A_45 : memref<64x1024xf32, #tpu.memory_space<hbm>>)
      tpu.yield
    }) : () -> ()
    "tpu.region"() ({
      %run_scoped3A = tpu.sem_alloc : memref<!tpu.dma_semaphore, #tpu.memory_space<semaphore_mem>>
      %dma_start3A_39 = arith.constant 0 : i32
      %dma_start3A_40 = tpu.memref_slice %arg17[%dma_start3A_39] : memref<80xi32, #tpu.memory_space<vmem>> -> memref<64xi32, #tpu.memory_space<vmem>>
      %dma_start3A_41 = tpu.memref_slice %arg9[%mul3A_2] : memref<2048xi32, #tpu.memory_space<hbm>> -> memref<64xi32, #tpu.memory_space<hbm>>
      %dma_start3A_42 = tpu.memref_slice %arg9[%mul3A_2] : memref<2048xi32, #tpu.memory_space<hbm>> -> memref<64xi32, #tpu.memory_space<hbm>>
      %dma_start3A_43 = arith.constant 0 : i32
      %dma_start3A_44 = tpu.memref_slice %arg17[%dma_start3A_43] : memref<80xi32, #tpu.memory_space<vmem>> -> memref<64xi32, #tpu.memory_space<vmem>>
      tpu.enqueue_dma source(%dma_start3A_44 : memref<64xi32, #tpu.memory_space<vmem>>) target(%dma_start3A_42 : memref<64xi32, #tpu.memory_space<hbm>>) target_semaphore(%run_scoped3A : memref<!tpu.dma_semaphore, #tpu.memory_space<semaphore_mem>>)
      %dma_wait3A = arith.constant 0 : i32
      %dma_wait3A_45 = tpu.memref_slice %arg17[%dma_wait3A] : memref<80xi32, #tpu.memory_space<vmem>> -> memref<64xi32, #tpu.memory_space<vmem>>
      %dma_wait3A_46 = tpu.memref_slice %arg9[%mul3A_2] : memref<2048xi32, #tpu.memory_space<hbm>> -> memref<64xi32, #tpu.memory_space<hbm>>
      %dma_wait3A_47 = tpu.memref_slice %arg9[%mul3A_2] : memref<2048xi32, #tpu.memory_space<hbm>> -> memref<64xi32, #tpu.memory_space<hbm>>
      %dma_wait3A_48 = arith.constant 0 : i32
      %dma_wait3A_49 = tpu.memref_slice %arg17[%dma_wait3A_48] : memref<80xi32, #tpu.memory_space<vmem>> -> memref<64xi32, #tpu.memory_space<vmem>>
      tpu.wait_dma2 semaphore(%run_scoped3A : memref<!tpu.dma_semaphore, #tpu.memory_space<semaphore_mem>>) src(%dma_wait3A_49 : memref<64xi32, #tpu.memory_space<vmem>>) dst(%dma_wait3A_47 : memref<64xi32, #tpu.memory_space<hbm>>)
      tpu.yield
    }) : () -> ()
    return
  }
}

</mosaic_0001>

<sc_bundles>
// kernel: _decoder_sc.3.cloned.1.call-start
scs
__scs_entry_jumppad:
0x0: {  	(pc) =	sbr.rel $0x88, $3  }
0x1: {  	(tag) =	ssettag $0x0;
	lr =	simm.s32 $0x1  }
0x2: {  	[smem:$0x3F9B] =	sst lr;
	_ =	strace $0xD0000000  }
0x3: {  	_ = 	snop  }
0x4: {  	_ = 	snop  }
0x5: {  	_ = 	snop  }
0x6: {  	_ = 	snop  }
0x7: {  	_ = 	snop  }
__scs_overlays_trampoline_lowered:
0x8: {  	[smem:$0x3FAA] =	sst s0  }
0x9: {  	[smem:$0x3FAB] =	sst s1  }
0xa: {  	[smem:$0x3FAC] =	sst s2  }
0xb: {  	[smem:$0x3FAD] =	sst s3  }
0xc: {  	[smem:$0x3FAE] =	sst s4  }
0xd: {  	[smem:$0x3FAF] =	sst s5  }
0xe: {  	[smem:$0x3FB0] =	sst s6  }
0xf: {  	[smem:$0x3FB1] =	sst s7  }
0x10: {  	[smem:$0x3FB2] =	sst s8  }
0x11: {  	[smem:$0x3FB3] =	sst s9;
	s0 =	simm.s32 @!p0 $0x0  }
0x12: {  	s1 =	sld [smem:$0x3F99];
	s0 =	simm.s32 @p0 $0x1  }
0x13: {  	[smem:$0x3FB4] =	sst s0;
	s0 =	simm.s32 @!p1 $0x0  }
0x14: {  	s2 =	sld [smem:$0x3F98];
	s0 =	simm.s32 @p1 $0x1  }
0x15: {  	[smem:$0x3FB5] =	sst s0;
	s0 =	simm.s32 @!p2 $0x0  }
0x16: {  	s3 =	sld [smem:$0x3FDB];
	s0 =	simm.s32 @p2 $0x1  }
0x17: {  	s4 =	simm.s32 $0x1BF5;
	[smem:$0x3FB7] =	sst s0  }
0x18: {  	s0 =	sld [smem:$0x3F9A];
	_ =	swait.ge [sflag:s4], $0x0  }
0x19: {  	s7 =	sld [smem:$0x3F9B]  }
0x1a: {  	s8 =	sadd.s32 $0xFFFFE003, lr  }
0x1b: {  	s9 =	sadd.s32 $0xFFFFFEF7, lr;
	s5 =	simm.s32 $0xFFFFFFFF;
	p2 =	slt.u32 s8, $0xFFFFF086  }
0x1c: {  	p1 =	slt.u32 s9, $0xF7A;
	s5 =	simm.s32 @!p2 $0x0  }
0x1d: {  	s5 =	simm.s32 @p1 $0x1;
	p0 =	seq.s32 s7, s2  }
0x1e: {  	s7 =	smul.u32 @!p0 $0xF7A, s2;
	p2 =	seq.s32 @!p0 s5, $0x0  }
0x1f: {  	s9 =	smul.u32 $0xF7A, s1;
	s8 =	simm.s32 @!p0 $0x1BF5;
	p2 =	por !p2, p0  }
0x20: {  	[sflag:s8] =	ssyncset.s32 @!p0 $0xFFFFF086;
	s6 =	sadd.s32 @!p0 s3, s7;
	s7 =	simm.s32 @!p0 $0x108  }
0x21: {  	s3 =	sadd.s32 s3, s9;
	s6 =	sadd.s32 @!p0 $0x88, s6;
	s7 =	simm.s32 @p2 $0x1082  }
0x22: {  	[simem:s7], [sflag:s8] =	dma.local @!p0 [hbm:s6], $0xF7A  }
0x23: {  	s9 =	sor.u32 $0xD0000000, s2;
	s6 =	simm.s32 $0x108;
	_ =	swait.ge @!p0 [sflag:s8], $0x0  }
0x24: {  	s3 =	sadd.s32 $0x88, s3;
	s6 =	simm.s32 @!p1 $0x1082;
	[sflag:s4] =	ssyncset.s32 $0xFFFFF086  }
0x25: {  	[simem:s6], [sflag:s4] =	dma.local [hbm:s3], $0xF7A  }
0x26: {  	[smem:$0x3F9B] =	sst s1;
	(tag) =	ssettag s2;
	_ =	strace s9  }
0x27: {  	s1 =	sld [smem:$0x3FAB]  }
0x28: {  	s2 =	sld [smem:$0x3FAC]  }
0x29: {  	s4 =	sld [smem:$0x3FAE]  }
0x2a: {  	p0 =	seq.s32 s5, $0x0;
	s5 =	sld [smem:$0x3FAF]  }
0x2b: {  	s6 =	sld [smem:$0x3FB0]  }
0x2c: {  	s7 =	sld [smem:$0x3FB1]  }
0x2d: {  	s3 =	simm.s32 $0x108;
	s8 =	sld [smem:$0x3FB2]  }
0x2e: {  	s3 =	simm.s32 @!p0 $0x1082;
	s9 =	sld [smem:$0x3FB3]  }
0x2f: {  	lr =	sadd.s32 s0, s3;
	s0 =	sld [smem:$0x3FAA]  }
0x30: {  	s3 =	sld [smem:$0x3FAD]  }
0x31: {  	[smem:$0x3FB6] =	sst s10  }
0x32: {  	s10 =	sld [smem:$0x3FB4];
	_ =	sdelay $0x3  }
0x33: {  	p0 =	seq.s32 s10, $0x1;
	s10 =	sld [smem:$0x3FB6];
	_ =	sdelay $0x3  }
0x34: {  	[smem:$0x3FB6] =	sst s10  }
0x35: {  	s10 =	sld [smem:$0x3FB5];
	_ =	sdelay $0x3  }
0x36: {  	p1 =	seq.s32 s10, $0x1;
	s10 =	sld [smem:$0x3FB6];
	_ =	sdelay $0x3  }
0x37: {  	[smem:$0x3FB6] =	sst s10  }
0x38: {  	s10 =	sld [smem:$0x3FB7]  }
0x39: {  	_ = 	snop;
	(pc) =	sbr.ind lr, $3  }
0x3a: {  	_ = 	snop  }
0x3b: {  	_ = 	snop  }
0x3c: {  	p2 =	seq.s32 s10, $0x1;
	s10 =	sld [smem:$0x3FB6]  }
0x3d: {  	_ =	shalt  }
0x3e: {  	_ =	shalt  }
0x3f: {  	_ =	shalt  }
0x40: {  	_ =	shalt  }
0x41: {  	_ =	shalt  }
0x42: {  	_ =	shalt  }
0x43: {  	_ =	shalt  }
0x44: {  	_ =	shalt  }
0x45: {  	_ =	shalt  }
0x46: {  	_ =	shalt  }
0x47: {  	_ =	shalt  }
0x48: {  	_ =	shalt  }
0x49: {  	_ =	shalt  }
0x4a: {  	_ =	shalt  }
0x4b: {  	_ =	shalt  }
0x4c: {  	_ =	shalt  }
0x4d: {  	_ =	shalt  }
0x4e: {  	_ =	shalt  }
0x4f: {  	_ =	shalt  }
0x50: {  	_ =	shalt  }
0x51: {  	_ =	shalt  }
0x52: {  	_ =	shalt  }
0x53: {  	_ =	shalt  }
0x54: {  	_ =	shalt  }
0x55: {  	_ =	shalt  }
0x56: {  	_ =	shalt  }
0x57: {  	_ =	shalt  }
0x58: {  	_ =	shalt  }
0x59: {  	_ =	shalt  }
0x5a: {  	_ =	shalt  }
0x5b: {  	_ =	shalt  }
0x5c: {  	_ =	shalt  }
0x5d: {  	_ =	shalt  }
0x5e: {  	_ =	shalt  }
0x5f: {  	_ =	shalt  }
0x60: {  	_ =	shalt  }
0x61: {  	_ =	shalt  }
0x62: {  	_ =	shalt  }
0x63: {  	_ =	shalt  }
0x64: {  	_ =	shalt  }
0x65: {  	_ =	shalt  }
0x66: {  	_ =	shalt  }
0x67: {  	_ =	shalt  }
0x68: {  	_ =	shalt  }
0x69: {  	_ =	shalt  }
0x6a: {  	_ =	shalt  }
0x6b: {  	_ =	shalt  }
0x6c: {  	_ =	shalt  }
0x6d: {  	_ =	shalt  }
0x6e: {  	_ =	shalt  }
0x6f: {  	_ =	shalt  }
0x70: {  	_ =	shalt  }
0x71: {  	_ =	shalt  }
0x72: {  	_ =	shalt  }
0x73: {  	_ =	shalt  }
0x74: {  	_ =	shalt  }
0x75: {  	_ =	shalt  }
0x76: {  	_ =	shalt  }
0x77: {  	_ =	shalt  }
0x78: {  	_ =	shalt  }
0x79: {  	_ =	shalt  }
0x7a: {  	_ =	shalt  }
0x7b: {  	_ =	shalt  }
0x7c: {  	_ =	shalt  }
0x7d: {  	_ =	shalt  }
0x7e: {  	_ =	shalt  }
0x7f: {  	_ =	shalt  }
0x80: {  	_ =	shalt  }
0x81: {  	_ =	shalt  }
0x82: {  	_ =	shalt  }
0x83: {  	_ =	shalt  }
0x84: {  	_ =	shalt  }
0x85: {  	_ =	shalt  }
0x86: {  	_ =	shalt  }
0x87: {  	_ =	shalt  }
.Lfunc_end0:
.L_simem_size_0:
called_computation_lowered:
.L_overlay_start_0:
0x88: {  	s2 =	sld [smem:$0x3FD9]  }
0x89: {  	s3 =	sld [smem:$0x3FFE];
	_ =	sdelay $0x1  }
0x8a: {  	s1 =	srdreg.scid  }
0x8b: {  	s0 =	sand.u32 $0x1, s1  }
0x8c: {  	s14 =	sshll.u32 s0, $0xA;
	s2 =	sadd.s32 s3, s2  }
0x8d: {  	s2 =	sadd.s32 s2, s14  }
0x8e: {  	[smem:$0x3FC2] =	sst s2  }
0x8f: {  	_ = 	snop  }
0x90: {  	s2 =	sld [smem:$0x3FC9]  }
0x91: {  	s15 =	sld [smem:$0x3FD0]  }
0x92: {  	s4 =	sld [smem:$0x3FC8]  }
0x93: {  	s5 =	sld [smem:$0x3FC6]  }
0x94: {  	s7 =	simm.s32 $0xA;
	s8 =	simm.s32 $0x10;
	s6 =	sld [smem:$0x3FC4]  }
0x95: {  	[smem:s8], [sflag:s7] =	dma.local [hbm:s15], $0x1  }
0x96: {  	_ =	swait.eq [sflag:s7], $0x1  }
0x97: {  	[sflag:s7] =	ssyncset.done $0x0  }
0x98: {  	s16 =	sld [smem:$0x10];
	[sflag:s7] =	ssyncadd.s32 $0xFFFFFFFF  }
0x99: {  	s17 =	sld [smem:$0x11];
	(tm) =	ssettm $0x1  }
0x9a: {  	s18 =	sld [smem:$0x3FFB];
	_ =	sdelay $0x3  }
0x9b: {  	_ =	strace s18  }
0x9c: {  	s8 =	sld [smem:$0x3FFC];
	_ =	sdelay $0x3  }
0x9d: {  	_ =	strace s8  }
0x9e: {  	s8 =	sld [smem:$0x3FFD];
	_ =	sdelay $0x3  }
0x9f: {  	_ =	strace s8  }
0xa0: {  	_ =	strace $0x8FFFFFFF  }
0xa1: {  	s19 =	sld [smem:$0x3FDB];
	_ =	sdelay $0x1  }
0xa2: {  	s9 =	simm.s32 $_scs_section_size  }
0xa3: {  	s10 =	simm.s32 $_size__tile_overlayer_lowered;
	s11 =	simm.s32 $_tile_overlayer_lowered  }
0xa4: {  	s22 =	simm.s32 $0x1BFF;
	s21 =	sshll.u32 s11, $0x1;
	s8 =	sadd.s32 s9, s19  }
0xa5: {  	s12 =	simm.s32 $0x0;
	s20 =	sshll.u32 s10, $0x1;
	s10 =	sadd.s32 s21, s8  }
0xa6: {  	[timem:s12], [sflag:s22] =	dma.local [hbm:s10], s20  }
0xa7: {  	_ =	swait.ge [sflag:s22], s20  }
0xa8: {  	s9 =	ssub.s32 $0x0, s20;
	[sflag:s22] =	ssyncset.done $0x0  }
0xa9: {  	[sflag:s22] =	ssyncadd.s32 s9;
	_ =	sdelay $0x1  }
0xaa: {  	s23 =	simm.s32 $0x1B8B  }
0xab: {  	_ =	swait.ge [sflag:s23], $0x1  }
0xac: {  	[sflag:s23] =	ssyncset.done $0x0  }
0xad: {  	s25 =	simm.s32 $0x1B8E;
	s24 =	sld [smem:$0x3FFE];
	[sflag:s23] =	ssyncadd.s32 $0xFFFFFFFF  }
0xae: {  	s26 =	simm.s32 $execute0_lowered;
	[smem:$0x3FD2] =	sst s25  }
0xaf: {  	s10 =	sshll.u32 s26, $0x1;
	_ =	strace $0x80000046;
	[dreg:$0x1] =	wrdreg $0xFFFFFFFF  }
0xb0: {  	s28 =	simm.s32 $_size_execute0_lowered;
	s8 =	sadd.s32 s8, s10;
	[dreg:$0x0] =	wrdreg $0x0  }
0xb1: {  	s10 =	sshll.u32 s28, $0x1;
	[dreg:$0x2] =	wrdreg s8  }
0xb2: {  	[dreg:$0x3] =	wrdreg s10  }
0xb3: {  	[dreg:$0x4] =	wrdreg $0xC0  }
0xb4: {  	_ =	task [dreg:s12], $0x5FFFF  }
0xb5: {  	[dreg:$0x1] =	wrdreg $0xFFFFFFFF  }
0xb6: {  	[dreg:$0x0] =	wrdreg $0x60  }
0xb7: {  	[dreg:$0x2] =	wrdreg s2  }
0xb8: {  	[dreg:$0x3] =	wrdreg s4  }
0xb9: {  	[dreg:$0x4] =	wrdreg s24  }
0xba: {  	[dreg:$0x5] =	wrdreg s5  }
0xbb: {  	[dreg:$0x6] =	wrdreg s6  }
0xbc: {  	[dreg:$0x7] =	wrdreg s16  }
0xbd: {  	[dreg:$0x8] =	wrdreg s17  }
0xbe: {  	[dreg:$0x9] =	wrdreg $0x9  }
0xbf: {  	_ =	task.clear_ibuf [dreg:s12], $0xAFFFF;
	_ =	strace $0x90000046  }
0xc0: {  	s29 =	simm.s32 $0x9;
	_ =	strace $0x80000048  }
0xc1: {  	_ =	swait.ge [sflag:s29], $0x1  }
0xc2: {  	[sflag:s29] =	ssyncadd.s32 $0xFFFFFFFF  }
0xc3: {  	_ =	strace $0x90000048  }
0xc4: {  	_ =	sfence  }
0xc5: {  	s30 =	sld [smem:$0x0];
	_ =	sdelay $0x2  }
0xc6: {  	s31 =	sshll.u32 s1, $0xD;
	s1 =	sshrl.u32 s1, $0x2  }
0xc7: {  	s3 =	sand.u32 $0x4000, s31;
	s1 =	sadd.s32 s1, s30  }
0xc8: {  	s0 =	sor.u32 s3, s0;
	s1 =	sshll.u32 s1, $0x11  }
0xc9: {  	s0 =	sor.u32 s1, s0  }
0xca: {  	s0 =	sadd.s32 $0x8F2B, s0  }
0xcb: {  	[sflag:s0] =	ssyncadd.remote.s32 $0x1  }
0xcc: {  	_ =	sfence.sel $0xFFFF  }
0xcd: {  	[dreg:$0x0] =	wrdreg $0xFFFFFFFF;
	(pc) =	sbr.abs _section_cstart, $3  }
0xce: {  	[dreg:$0x1] =	wrdreg $0xFFFFFFFF  }
0xcf: {  	_ =	task.clear_ibuf [dreg:s12], $0x2FFFF;
	_ =	strace $0x9FFFFFFF  }
0xd0: {  	(tm) =	ssettm $0x7FFFFFFF  }
0xd1: {  	_ =	shalt  }
tec
execute0_lowered:
.L_overlay_start_1:
0x0: {  	(tag) =	ssettag $0x1  }
0x1: {  	s9 =	rddreg [dreg:$0x0]  }
0x2: {  	s0 =	rddreg [dreg:$0x2]  }
0x3: {  	s1 =	rddreg [dreg:$0x3]  }
0x4: {  	s2 =	rddreg [dreg:$0x4]  }
0x5: {  	s3 =	rddreg [dreg:$0x5]  }
0x6: {  	s4 =	rddreg [dreg:$0x6];
	s5 =	srdreg.scid  }
0x7: {  	s6 =	stileid.u32;
	s10 =	simm.s32 $0x0;
	s5 =	sand.u32 $0x1, s5  }
0x8: {  	s6 =	sshll.u32 s6, $0x1;
	[smem:$0x7FF] =	sst s10;
	s25 =	sadd.s32 $0x100, s9  }
0x9: {  	s26 =	sadd.s32 $0x200, s9;
	_ =	strace $0x80000047;
	[smem:$0x7F8] =	sst s25  }
0xa: {  	s28 =	sadd.s32 $0x300, s9;
	s6 =	sor.u32 s5, s6;
	[smem:$0x7F9] =	sst s26  }
0xb: {  	s5 =	ssub.s32 $0x2, s5;
	[smem:$0x7FA] =	sst s28;
	s21 =	sshll.u32 s6, $0x8  }
0xc: {  	s7 =	sshll.u32 s6, $0xA;
	s23 =	sshll.u32 s6, $0x3;
	s1 =	sadd.s32 s1, s21  }
0xd: {  	s8 =	sshrl.u32 s5, $0x1;
	s24 =	sadd.s32 s2, s23;
	[smem:$0x7F5] =	sst s1  }
0xe: {  	s0 =	sadd.s32 s7, s0;
	s30 =	sadd.s32 s4, s23;
	[smem:$0x7F7] =	sst s24  }
.Ltmp0:
0xf: {  	vm0 =	vmmov $0xffff;
	v3 =	vlaneseq.u32;
	v11 =	vimm.s32 $0x17;
	s22 =	sadd.s32 $0x600, s0;
	[smem:$0x7FC] =	sst s30;
	(pc) =	sbr.rel .LBB2_1-.Ltmp0, $4  }
0x10: {  	v12 =	vimm.s32 $0x18;
	v13 =	vimm.s32 $0x19;
	v14 =	vimm.s32 $0x1A;
	s5 =	ssub.s32 s5, s8;
	s0 =	sadd.s32 $0x8600, s0;
	[smem:$0x7F4] =	sst s22  }
0x11: {  	v15 =	vimm.s32 $0x1B;
	v16 =	vimm.s32 $0x1C;
	v17 =	vimm.s32 $0x1D;
	s29 =	sshll.u32 s6, $0xD;
	s31 =	smax.u32 s5, $0x1;
	[smem:$0x7F6] =	sst s0  }
0x12: {  	v18 =	vimm.s32 $0x1E;
	v19 =	vimm.s32 $0x1F;
	v2 =	vshrl.u32 v3, $0x3;
	s0 =	sadd.s32 s3, s29;
	[smem:$0x7FD] =	sst s31  }
0x13: {  	v1 =	vand.u32 $0x7, v3;
	v3 =	vor.u32 $0x8, v3;
	v2 =	vmul.u32 $0x8, v2;
	s2 =	simm.s32 $0x0;
	s1 =	simm.s32 $0x3;
	[smem:$0x7FB] =	sst s0  }
.LBB2_8:
0x14: {  	s0 =	sld [smem:$0x7FB];
	_ =	sdelay $0x1  }
0x15: {  	s10 =	simm.s32 $0x0;
	s1 =	simm.s32 $0xE880  }
0x16: {  	[hbm4b:s0+s10] =	stream.linear.scatter [tilespmem:s1], [sflag:$0x3], $0x10000, $0x38;
	[tilespmem:$0x1E980] =	vst v63  }
0x17: {  	s1 =	simm.s32 $0x3  }
0x18: {  	_ =	swait.ge [sflag:s1], $0x10000  }
0x19: {  	s29 =	sld [smem:$0x7FC]  }
0x1a: {  	[sflag:s1] =	ssyncset.done $0x0  }
0x1b: {  	s2 =	simm.s32 $0x1E880;
	[sflag:s1] =	ssyncadd.s32 $0xFFFF0000  }
0x1c: {  	[hbm4b:s29+s10] =	stream.linear.scatter [tilespmem:s2], [sflag:$0x3], $0x40, $0x38;
	[tilespmem:$0x1E980] =	vst v63  }
0x1d: {  	_ =	swait.ge [sflag:s1], $0x40  }
0x1e: {  	s30 =	sld [smem:$0x7F3]  }
0x1f: {  	s31 =	sld [smem:$0x7FD];
	_ =	sdelay $0x1  }
0x20: {  	s2 =	sadd.s32 $0x1, s30  }
0x21: {  	p0 =	sne.s32 s2, s31  }
.Ltmp1:
0x22: {  	_ = 	snop;
	(pc) =	sbr.rel @!p0 .LBB2_9-.Ltmp1, $3  }
0x23: {  	_ =	sdelay $0x1  }
0x24: {  	[sflag:s1] =	ssyncset.done $0x0  }
0x25: {  	[sflag:s1] =	ssyncadd.s32 $0xFFFFFFC0  }
.LBB2_1:
0x26: {  	[smem:$0x7F3] =	sst s2  }
0x27: {  	s0 =	rddreg [dreg:$0x1]  }
0x28: {  	[tilespmem:s10], [sflag:$0x3] =	stream.linear.gather [hbm4b:s0+s10], $0x2000, $0x38;
	[tilespmem:$0x1E980] =	vst v63  }
0x29: {  	_ =	swait.ge [sflag:s1], $0x2000  }
0x2a: {  	s4 =	sld [smem:$0x7F4]  }
0x2b: {  	[sflag:s1] =	ssyncset.done $0x0  }
0x2c: {  	s5 =	simm.s32 $0x2000;
	[sflag:s1] =	ssyncadd.s32 $0xFFFFE000  }
0x2d: {  	[tilespmem:s5], [sflag:$0x3] =	stream.linear.gather [hbm4b:s4+s10], $0x2000, $0x38;
	[tilespmem:$0x1E980] =	vst v63  }
0x2e: {  	_ =	swait.ge [sflag:s1], $0x2000  }
0x2f: {  	s6 =	sld [smem:$0x7F5]  }
0x30: {  	[sflag:s1] =	ssyncset.done $0x0  }
0x31: {  	s7 =	simm.s32 $0x4000;
	[sflag:s1] =	ssyncadd.s32 $0xFFFFE000  }
0x32: {  	[tilespmem:s7], [sflag:$0x3] =	stream.linear.gather [hbm4b:s6+s10], $0x800, $0x38;
	[tilespmem:$0x1E980] =	vst v63  }
0x33: {  	_ =	swait.ge [sflag:s1], $0x800  }
0x34: {  	s8 =	sld [smem:$0x7F6]  }
0x35: {  	[sflag:s1] =	ssyncset.done $0x0  }
0x36: {  	s9 =	simm.s32 $0x4800;
	[sflag:s1] =	ssyncadd.s32 $0xFFFFF800  }
0x37: {  	[tilespmem:s9], [sflag:$0x3] =	stream.linear.gather [hbm4b:s8+s10], $0x2000, $0x38;
	[tilespmem:$0x1E980] =	vst v63  }
0x38: {  	_ =	swait.ge [sflag:s1], $0x2000  }
0x39: {  	s11 =	sld [smem:$0x7F7]  }
0x3a: {  	[sflag:s1] =	ssyncset.done $0x0  }
0x3b: {  	s12 =	simm.s32 $0x6800;
	[sflag:s1] =	ssyncadd.s32 $0xFFFFE000  }
0x3c: {  	[tilespmem:s12], [sflag:$0x3] =	stream.linear.gather [hbm4b:s11+s10], $0x40, $0x38;
	[tilespmem:$0x1E980] =	vst v63  }
0x3d: {  	_ =	swait.ge [sflag:s1], $0x40  }
0x3e: {  	[sflag:s1] =	ssyncset.done $0x0  }
0x3f: {  	[sflag:s1] =	ssyncadd.s32 $0xFFFFFFC0  }
0x40: {  	v20 =	vld [tilespmem:$0x4000]  }
0x41: {  	v21 =	vld [tilespmem:$0x4080]  }
0x42: {  	v22 =	vld [tilespmem:$0x4100]  }
0x43: {  	v23 =	vld [tilespmem:$0x4180]  }
0x44: {  	v24 =	vld [tilespmem:$0x4200]  }
0x45: {  	v25 =	vld [tilespmem:$0x4280]  }
0x46: {  	v26 =	vld [tilespmem:$0x4300]  }
0x47: {  	v27 =	vld [tilespmem:$0x4380]  }
0x48: {  	v28 =	vld [tilespmem:$0x4400]  }
0x49: {  	v29 =	vld [tilespmem:$0x4480]  }
0x4a: {  	v30 =	vld [tilespmem:$0x4500]  }
0x4b: {  	v31 =	vld [tilespmem:$0x4580]  }
0x4c: {  	v32 =	vld [tilespmem:$0x4600]  }
0x4d: {  	v33 =	vld [tilespmem:$0x4680]  }
0x4e: {  	v46 =	vld [tilespmem:$0x4700]  }
0x4f: {  	v47 =	vld [tilespmem:$0x4780]  }
0x50: {  	v54 =	vld [tilespmem:$0x4010]  }
0x51: {  	v55 =	vld [tilespmem:$0x4090]  }
0x52: {  	v56 =	vld [tilespmem:$0x4110]  }
0x53: {  	v57 =	vld [tilespmem:$0x4190]  }
0x54: {  	v58 =	vld [tilespmem:$0x4210]  }
0x55: {  	v60 =	vld [tilespmem:$0x4310]  }
0x56: {  	v61 =	vld [tilespmem:$0x4390]  }
0x57: {  	v62 =	vld [tilespmem:$0x4410]  }
0x58: {  	v63 =	vld [tilespmem:$0x4490]  }
0x59: {  	v6 =	vld [tilespmem:$0x4510]  }
0x5a: {  	v7 =	vld [tilespmem:$0x4590]  }
0x5b: {  	v36 =	vld [tilespmem:$0x4610]  }
0x5c: {  	v37 =	vld [tilespmem:$0x4690]  }
0x5d: {  	v38 =	vld [tilespmem:$0x4710]  }
0x5e: {  	v20 =	vld.idx.msk [tilespmem:v20+s10+$0x0], $0xffff  }
0x5f: {  	v21 =	vld.idx.msk [tilespmem:v21+s10+$0x0], $0xffff  }
0x60: {  	v22 =	vld.idx.msk [tilespmem:v22+s10+$0x0], $0xffff  }
0x61: {  	v23 =	vld.idx.msk [tilespmem:v23+s10+$0x0], $0xffff  }
0x62: {  	v24 =	vld.idx.msk [tilespmem:v24+s10+$0x0], $0xffff  }
0x63: {  	v25 =	vld.idx.msk [tilespmem:v25+s10+$0x0], $0xffff  }
0x64: {  	v26 =	vld.idx.msk [tilespmem:v26+s10+$0x0], $0xffff;
	v20 =	vadd.s32 v20, v21  }
0x65: {  	v27 =	vld.idx.msk [tilespmem:v27+s10+$0x0], $0xffff;
	v20 =	vadd.s32 v22, v20  }
0x66: {  	v48 =	vld.idx.msk [tilespmem:v28+s10+$0x0], $0xffff;
	v20 =	vadd.s32 v23, v20  }
0x67: {  	v49 =	vld.idx.msk [tilespmem:v29+s10+$0x0], $0xffff;
	v20 =	vadd.s32 v24, v20  }
0x68: {  	v50 =	vld.idx.msk [tilespmem:v30+s10+$0x0], $0xffff;
	v20 =	vadd.s32 v25, v20  }
0x69: {  	v51 =	vld.idx.msk [tilespmem:v31+s10+$0x0], $0xffff;
	v20 =	vadd.s32 v26, v20  }
0x6a: {  	v52 =	vld.idx.msk [tilespmem:v32+s10+$0x0], $0xffff;
	v20 =	vadd.s32 v27, v20  }
0x6b: {  	v53 =	vld.idx.msk [tilespmem:v33+s10+$0x0], $0xffff;
	v20 =	vadd.s32 v48, v20  }
0x6c: {  	v21 =	vld.idx.msk [tilespmem:v46+s10+$0x0], $0xffff;
	v20 =	vadd.s32 v49, v20  }
0x6d: {  	v22 =	vld.idx.msk [tilespmem:v47+s10+$0x0], $0xffff;
	v20 =	vadd.s32 v50, v20  }
0x6e: {  	v39 =	vld [tilespmem:$0x4790];
	v20 =	vadd.s32 v51, v20  }
0x6f: {  	v48 =	vld [tilespmem:$0x4020];
	v20 =	vadd.s32 v52, v20  }
0x70: {  	v49 =	vld [tilespmem:$0x40A0];
	v20 =	vadd.s32 v53, v20  }
0x71: {  	v50 =	vld [tilespmem:$0x4120];
	v20 =	vadd.s32 v21, v20  }
0x72: {  	v51 =	vld [tilespmem:$0x41A0];
	v20 =	vadd.s32 v22, v20  }
0x73: {  	v0 =	vimm.s32 $0x0;
	v52 =	vld [tilespmem:$0x4220];
	vm1 =	vgt.s32 v20, $0xB  }
0x74: {  	v20 =	vld [tilespmem:$0x4290];
	v59 =	vsel vm1, $0x1, v0  }
0x75: {  	[tilespmem:$0x1E880] =	vst v59;
	v59 =	vld [tilespmem:$0x45A0]  }
0x76: {  	v24 =	vld.idx.msk [tilespmem:v54+s10+$0x0], $0xffff  }
0x77: {  	v25 =	vld.idx.msk [tilespmem:v55+s10+$0x0], $0xffff  }
0x78: {  	v23 =	vld.idx.msk [tilespmem:v56+s10+$0x0], $0xffff  }
0x79: {  	v21 =	vld.idx.msk [tilespmem:v57+s10+$0x0], $0xffff  }
0x7a: {  	v22 =	vld.idx.msk [tilespmem:v58+s10+$0x0], $0xffff  }
0x7b: {  	v27 =	vld.idx.msk [tilespmem:v60+s10+$0x0], $0xffff  }
0x7c: {  	v26 =	vld.idx.msk [tilespmem:v61+s10+$0x0], $0xffff  }
0x7d: {  	v40 =	vld.idx.msk [tilespmem:v62+s10+$0x0], $0xffff  }
0x7e: {  	v41 =	vld.idx.msk [tilespmem:v63+s10+$0x0], $0xffff  }
0x7f: {  	v42 =	vld.idx.msk [tilespmem:v6+s10+$0x0], $0xffff  }
0x80: {  	v20 =	vld.idx.msk [tilespmem:v20+s10+$0x0], $0xffff  }
0x81: {  	v43 =	vld.idx.msk [tilespmem:v7+s10+$0x0], $0xffff;
	v24 =	vadd.s32 v24, v25  }
0x82: {  	v44 =	vld.idx.msk [tilespmem:v36+s10+$0x0], $0xffff;
	v23 =	vadd.s32 v23, v24  }
0x83: {  	v45 =	vld.idx.msk [tilespmem:v37+s10+$0x0], $0xffff;
	v21 =	vadd.s32 v21, v23  }
0x84: {  	v46 =	vld.idx.msk [tilespmem:v38+s10+$0x0], $0xffff;
	v21 =	vadd.s32 v22, v21  }
0x85: {  	v47 =	vld.idx.msk [tilespmem:v39+s10+$0x0], $0xffff;
	v20 =	vadd.s32 v20, v21  }
0x86: {  	v54 =	vld [tilespmem:$0x4320];
	v20 =	vadd.s32 v27, v20  }
0x87: {  	v55 =	vld [tilespmem:$0x43A0];
	v20 =	vadd.s32 v26, v20  }
0x88: {  	v56 =	vld [tilespmem:$0x4420];
	v20 =	vadd.s32 v40, v20  }
0x89: {  	v57 =	vld [tilespmem:$0x44A0];
	v20 =	vadd.s32 v41, v20  }
0x8a: {  	v58 =	vld [tilespmem:$0x4520];
	v20 =	vadd.s32 v42, v20  }
0x8b: {  	v60 =	vld [tilespmem:$0x4620];
	v20 =	vadd.s32 v43, v20  }
0x8c: {  	v61 =	vld [tilespmem:$0x46A0];
	v20 =	vadd.s32 v44, v20  }
0x8d: {  	v62 =	vld [tilespmem:$0x4720];
	v20 =	vadd.s32 v45, v20  }
0x8e: {  	v63 =	vld [tilespmem:$0x47A0];
	v20 =	vadd.s32 v46, v20  }
0x8f: {  	v39 =	vld [tilespmem:$0x4030];
	v20 =	vadd.s32 v47, v20  }
0x90: {  	vm1 =	vgt.s32 v20, $0xB;
	v20 =	vld [tilespmem:$0x42A0]  }
0x91: {  	v41 =	vld [tilespmem:$0x4130];
	v53 =	vsel vm1, $0x1, v0  }
0x92: {  	v42 =	vld [tilespmem:$0x41B0];
	[tilespmem:$0x1E890] =	vst v53  }
0x93: {  	v24 =	vld.idx.msk [tilespmem:v48+s10+$0x0], $0xffff  }
0x94: {  	v25 =	vld.idx.msk [tilespmem:v49+s10+$0x0], $0xffff  }
0x95: {  	v23 =	vld.idx.msk [tilespmem:v50+s10+$0x0], $0xffff  }
0x96: {  	v22 =	vld.idx.msk [tilespmem:v51+s10+$0x0], $0xffff  }
0x97: {  	v21 =	vld.idx.msk [tilespmem:v52+s10+$0x0], $0xffff  }
0x98: {  	v20 =	vld.idx.msk [tilespmem:v20+s10+$0x0], $0xffff  }
0x99: {  	v27 =	vld.idx.msk [tilespmem:v54+s10+$0x0], $0xffff;
	v24 =	vadd.s32 v24, v25  }
0x9a: {  	v26 =	vld.idx.msk [tilespmem:v55+s10+$0x0], $0xffff;
	v23 =	vadd.s32 v23, v24  }
0x9b: {  	v6 =	vld.idx.msk [tilespmem:v56+s10+$0x0], $0xffff;
	v22 =	vadd.s32 v22, v23  }
0x9c: {  	v7 =	vld.idx.msk [tilespmem:v57+s10+$0x0], $0xffff;
	v21 =	vadd.s32 v21, v22  }
0x9d: {  	v30 =	vld.idx.msk [tilespmem:v58+s10+$0x0], $0xffff;
	v20 =	vadd.s32 v20, v21  }
0x9e: {  	v34 =	vld.idx.msk [tilespmem:v59+s10+$0x0], $0xffff;
	v20 =	vadd.s32 v27, v20  }
0x9f: {  	v35 =	vld.idx.msk [tilespmem:v60+s10+$0x0], $0xffff;
	v20 =	vadd.s32 v26, v20  }
0xa0: {  	v36 =	vld.idx.msk [tilespmem:v61+s10+$0x0], $0xffff;
	v20 =	vadd.s32 v6, v20  }
0xa1: {  	v37 =	vld.idx.msk [tilespmem:v62+s10+$0x0], $0xffff;
	v20 =	vadd.s32 v7, v20  }
0xa2: {  	v38 =	vld.idx.msk [tilespmem:v63+s10+$0x0], $0xffff;
	v20 =	vadd.s32 v30, v20  }
0xa3: {  	v43 =	vld [tilespmem:$0x4230];
	v20 =	vadd.s32 v34, v20  }
0xa4: {  	v44 =	vld [tilespmem:$0x42B0];
	v20 =	vadd.s32 v35, v20  }
0xa5: {  	v45 =	vld [tilespmem:$0x4330];
	v20 =	vadd.s32 v36, v20  }
0xa6: {  	v46 =	vld [tilespmem:$0x43B0];
	v20 =	vadd.s32 v37, v20  }
0xa7: {  	v47 =	vld [tilespmem:$0x4430];
	v20 =	vadd.s32 v38, v20  }
0xa8: {  	v53 =	vld [tilespmem:$0x4730];
	vm1 =	vgt.s32 v20, $0xB  }
0xa9: {  	v48 =	vld [tilespmem:$0x44B0];
	v20 =	vsel vm1, $0x1, v0  }
0xaa: {  	[tilespmem:$0x1E8A0] =	vst v20;
	v20 =	vld [tilespmem:$0x40B0]  }
0xab: {  	v49 =	vld [tilespmem:$0x4530]  }
0xac: {  	v50 =	vld [tilespmem:$0x45B0]  }
0xad: {  	v51 =	vld [tilespmem:$0x4630]  }
0xae: {  	v52 =	vld [tilespmem:$0x46B0]  }
0xaf: {  	v54 =	vld [tilespmem:$0x47B0]  }
0xb0: {  	v56 =	vld [tilespmem:$0x2000]  }
0xb1: {  	v40 =	vld.idx.msk [tilespmem:v39+s10+$0x0], $0xffff  }
0xb2: {  	v20 =	vld.idx.msk [tilespmem:v20+s10+$0x0], $0xffff  }
0xb3: {  	v22 =	vld.idx.msk [tilespmem:v41+s10+$0x0], $0xffff  }
0xb4: {  	v23 =	vld.idx.msk [tilespmem:v42+s10+$0x0], $0xffff  }
0xb5: {  	v24 =	vld.idx.msk [tilespmem:v43+s10+$0x0], $0xffff  }
0xb6: {  	v25 =	vld.idx.msk [tilespmem:v44+s10+$0x0], $0xffff  }
0xb7: {  	v26 =	vld.idx.msk [tilespmem:v45+s10+$0x0], $0xffff;
	v20 =	vadd.s32 v40, v20  }
0xb8: {  	v27 =	vld.idx.msk [tilespmem:v46+s10+$0x0], $0xffff;
	v20 =	vadd.s32 v22, v20  }
0xb9: {  	v28 =	vld.idx.msk [tilespmem:v47+s10+$0x0], $0xffff;
	v20 =	vadd.s32 v23, v20  }
0xba: {  	v55 =	vld.idx.msk [tilespmem:v48+s10+$0x0], $0xffff;
	v20 =	vadd.s32 v24, v20  }
0xbb: {  	v57 =	vld.idx.msk [tilespmem:v49+s10+$0x0], $0xffff;
	v20 =	vadd.s32 v25, v20  }
0xbc: {  	v58 =	vld.idx.msk [tilespmem:v50+s10+$0x0], $0xffff;
	v20 =	vadd.s32 v26, v20  }
0xbd: {  	v59 =	vld.idx.msk [tilespmem:v51+s10+$0x0], $0xffff;
	v20 =	vadd.s32 v27, v20  }
0xbe: {  	v60 =	vld.idx.msk [tilespmem:v52+s10+$0x0], $0xffff;
	v20 =	vadd.s32 v28, v20  }
0xbf: {  	v61 =	vshll.u32 v56, $0x3;
	v21 =	vld.idx.msk [tilespmem:v53+s10+$0x0], $0xffff;
	v20 =	vadd.s32 v55, v20  }
0xc0: {  	v22 =	vld.idx.msk [tilespmem:v54+s10+$0x0], $0xffff;
	v23 =	vand.u32 $0xFFFFFFC0, v61;
	v24 =	vand.u32 $0x7, v56;
	v20 =	vadd.s32 v57, v20  }
0xc1: {  	v23 =	vor.u32 v24, v23;
	v20 =	vadd.s32 v58, v20  }
0xc2: {  	v24 =	vperm.xlane v23, v1;
	v20 =	vadd.s32 v59, v20  }
0xc3: {  	v20 =	vadd.s32 v60, v20  }
0xc4: {  	v62 =	vadd.s32 v2, v24;
	v20 =	vadd.s32 v21, v20  }
0xc5: {  	v20 =	vadd.s32 v22, v20  }
0xc6: {  	vm1 =	vgt.s32 v20, $0xB  }
0xc7: {  	s15 =	sld [smem:$0x7F8];
	v20 =	vsel vm1, $0x1, v0  }
0xc8: {  	s14 =	simm.s32 $0x6880;
	s13 =	rddreg [dreg:$0x0];
	[tilespmem:$0x1E8B0] =	vst v20  }
0xc9: {  	[tilespmem:s14], [sflag:$0x1] =	stream.indirect_vreg.gather [hbm4b:s13+s10], $0x80, v62, vm0, $0xb8;
	[tilespmem:$0x1E980] =	vst v63  }
0xca: {  	s16 =	simm.s32 $0x7080;
	s17 =	sld [smem:$0x7F9];
	v20 =	vperm.xlane v23, v3  }
0xcb: {  	[tilespmem:s16], [sflag:$0x1] =	stream.indirect_vreg.gather [hbm4b:s15+s10], $0x80, v62, vm0, $0xb8;
	[tilespmem:$0x1E980] =	vst v63  }
0xcc: {  	s3 =	simm.s32 $0x7880;
	s18 =	sld [smem:$0x7FA];
	v20 =	vadd.s32 v2, v20  }
0xcd: {  	[tilespmem:s3], [sflag:$0x1] =	stream.indirect_vreg.gather [hbm4b:s17+s10], $0x80, v62, vm0, $0xb8;
	[tilespmem:$0x1E980] =	vst v63  }
0xce: {  	s4 =	simm.s32 $0x8080  }
0xcf: {  	[tilespmem:s4], [sflag:$0x1] =	stream.indirect_vreg.gather [hbm4b:s18+s10], $0x80, v62, vm0, $0xb8;
	[tilespmem:$0x1E980] =	vst v63  }
0xd0: {  	s19 =	simm.s32 $0x8880  }
0xd1: {  	[tilespmem:s19], [sflag:$0x1] =	stream.indirect_vreg.gather [hbm4b:s13+s10], $0x80, v20, vm0, $0xb8;
	[tilespmem:$0x1E980] =	vst v63  }
0xd2: {  	s20 =	simm.s32 $0x9080  }
0xd3: {  	[tilespmem:s20], [sflag:$0x1] =	stream.indirect_vreg.gather [hbm4b:s15+s10], $0x80, v20, vm0, $0xb8;
	[tilespmem:$0x1E980] =	vst v63  }
0xd4: {  	s21 =	simm.s32 $0x9880  }
0xd5: {  	[tilespmem:s21], [sflag:$0x1] =	stream.indirect_vreg.gather [hbm4b:s17+s10], $0x80, v20, vm0, $0xb8;
	[tilespmem:$0x1E980] =	vst v63  }
0xd6: {  	s22 =	simm.s32 $0xA080  }
0xd7: {  	[tilespmem:s22], [sflag:$0x1] =	stream.indirect_vreg.gather [hbm4b:s18+s10], $0x80, v20, vm0, $0xb8;
	[tilespmem:$0x1E980] =	vst v63  }
0xd8: {  	v20 =	vld [tilespmem:$0x2080];
	_ =	sdelay $0x4  }
0xd9: {  	v63 =	vshll.u32 v20, $0x3  }
0xda: {  	v20 =	vand.u32 $0x7, v20;
	v21 =	vand.u32 $0xFFFFFFC0, v63  }
0xdb: {  	v20 =	vor.u32 v20, v21  }
0xdc: {  	v21 =	vperm.xlane v20, v1;
	_ =	sdelay $0x1  }
0xdd: {  	v21 =	vadd.s32 v2, v21;
	_ =	sdelay $0x3  }
0xde: {  	s23 =	simm.s32 $0xA880  }
0xdf: {  	[tilespmem:s23], [sflag:$0x2] =	stream.indirect_vreg.gather [hbm4b:s13+s10], $0x80, v21, vm0, $0xb8;
	[tilespmem:$0x1E980] =	vst v63  }
0xe0: {  	s24 =	simm.s32 $0xB080;
	v20 =	vperm.xlane v20, v3  }
0xe1: {  	[tilespmem:s24], [sflag:$0x2] =	stream.indirect_vreg.gather [hbm4b:s15+s10], $0x80, v21, vm0, $0xb8;
	[tilespmem:$0x1E980] =	vst v63  }
0xe2: {  	s25 =	simm.s32 $0xB880;
	v20 =	vadd.s32 v2, v20  }
0xe3: {  	[tilespmem:s25], [sflag:$0x2] =	stream.indirect_vreg.gather [hbm4b:s17+s10], $0x80, v21, vm0, $0xb8;
	[tilespmem:$0x1E980] =	vst v63  }
0xe4: {  	s26 =	simm.s32 $0xC080  }
0xe5: {  	[tilespmem:s26], [sflag:$0x2] =	stream.indirect_vreg.gather [hbm4b:s18+s10], $0x80, v21, vm0, $0xb8;
	[tilespmem:$0x1E980] =	vst v63  }
0xe6: {  	s28 =	simm.s32 $0xC880  }
0xe7: {  	[tilespmem:s28], [sflag:$0x2] =	stream.indirect_vreg.gather [hbm4b:s13+s10], $0x80, v20, vm0, $0xb8;
	[tilespmem:$0x1E980] =	vst v63  }
0xe8: {  	s29 =	simm.s32 $0xD080  }
0xe9: {  	[tilespmem:s29], [sflag:$0x2] =	stream.indirect_vreg.gather [hbm4b:s15+s10], $0x80, v20, vm0, $0xb8;
	[tilespmem:$0x1E980] =	vst v63  }
0xea: {  	s30 =	simm.s32 $0xD880  }
0xeb: {  	[tilespmem:s30], [sflag:$0x2] =	stream.indirect_vreg.gather [hbm4b:s17+s10], $0x80, v20, vm0, $0xb8;
	[tilespmem:$0x1E980] =	vst v63  }
0xec: {  	s31 =	simm.s32 $0xE080;
	s4 =	simm.s32 $0x0  }
0xed: {  	[tilespmem:s31], [sflag:$0x2] =	stream.indirect_vreg.gather [hbm4b:s18+s10], $0x80, v20, vm0, $0xb8;
	[tilespmem:$0x1E980] =	vst v63  }
.LBB2_2:
0xee: {  	s5 =	sshll.u32 s4, $0x8  }
0xef: {  	v20 =	vld [tilespmem:s5+$0x2000];
	_ =	sdelay $0x6  }
0xf0: {  	s0 =	simm.s32 $0x0  }
0xf1: {  	v20 =	vld.idx.msk [tilespmem:v20+s0+$0x0], $0xffff;
	_ =	sdelay $0x4  }
0xf2: {  	(xrf0) =	vadd.scan.msk.s32 $0xffff, v20;
	_ =	sdelay $0x5  }
0xf3: {  	v21, _, _ =	vpop (xrf0)  }
0xf4: {  	(v2sf) =	vpush v21, $0xF;
	_ =	sdelay $0xa  }
0xf5: {  	v21 =	vld [tilespmem:s5+$0x4800];
	_ =	sdelay $0x2  }
0xf6: {  	v20 =	vcvt.s32.f32 v20  }
0xf7: {  	s1 =	spop (v2sf)  }
0xf8: {  	s2 =	simm.f32 $1.000000000e+00;
	v0 =	vimm.s32 $0x10;
	v20 =	vmul.f32 v20, v21;
	p0 =	sgt.s32 s1, $0xB  }
0xf9: {  	s2 =	simm.s32 @!p0 $0x0  }
0xfa: {  	v20 =	vmul.f32 s2, v20;
	_ =	sdelay $0x1  }
0xfb: {  	s31 =	simm.s32 $0x1E900;
	[tilespmem:$0x1E910] =	vst v20  }
0xfc: {  	v23 =	vld.idx.msk [tilespmem:v0+s31+$0x0], $0xffff;
	v0 =	vimm.s32 $0x11;
	_ =	sdelay $0x4  }
0xfd: {  	v25 =	vld.idx.msk [tilespmem:v0+s31+$0x0], $0xffff;
	v0 =	vimm.s32 $0x12;
	_ =	sdelay $0x4  }
0xfe: {  	v26 =	vld.idx.msk [tilespmem:v0+s31+$0x0], $0xffff;
	v0 =	vimm.s32 $0x13;
	_ =	sdelay $0x4  }
0xff: {  	v21 =	vld.idx.msk [tilespmem:v0+s31+$0x0], $0xffff;
	v0 =	vimm.s32 $0x14;
	_ =	sdelay $0x2  }
0x100: {  	v20 =	vld.idx.msk [tilespmem:v11+s31+$0x0], $0xffff  }
0x101: {  	v30 =	vld.idx.msk [tilespmem:v12+s31+$0x0], $0xffff  }
0x102: {  	v27 =	vld.idx.msk [tilespmem:v0+s31+$0x0], $0xffff;
	v0 =	vimm.s32 $0x15  }
0x103: {  	s3 =	sshll.u32 s4, $0x1;
	v31 =	vld.idx.msk [tilespmem:v13+s31+$0x0], $0xffff  }
0x104: {  	v22 =	vmov s3;
	v32 =	vld.idx.msk [tilespmem:v14+s31+$0x0], $0xffff  }
0x105: {  	v36 =	vbroadcast v22, $0x0;
	v22 =	vld.idx.msk [tilespmem:v15+s31+$0x0], $0xffff  }
0x106: {  	v33 =	vld.idx.msk [tilespmem:v16+s31+$0x0], $0xffff  }
0x107: {  	v28 =	vld.idx.msk [tilespmem:v0+s31+$0x0], $0xffff;
	v0 =	vimm.s32 $0x16  }
0x108: {  	v34 =	vld.idx.msk [tilespmem:v17+s31+$0x0], $0xffff  }
0x109: {  	v35 =	vld.idx.msk [tilespmem:v18+s31+$0x0], $0xffff  }
0x10a: {  	[smem:$0x7EF] =	sst s3;
	s3 =	simm.s32 $0x6800;
	v24 =	vld.idx.msk [tilespmem:v19+s31+$0x0], $0xffff  }
0x10b: {  	s6 =	simm.s32 $0x1;
	v36 =	vld.idx.msk [tilespmem:v36+s3+$0x0], $0xffff  }
0x10c: {  	s7 =	sshll.u32 s4, $0xB;
	s8 =	sand.u32 $0x300, s5;
	v29 =	vld.idx.msk [tilespmem:v0+s31+$0x0], $0xffff;
	_ =	swait.ge [sflag:s6], $0x4000  }
0x10d: {  	s23 =	sand.u32 $0x40, s0;
	s1 =	sand.u32 $0xE000, s7;
	[smem:$0x7F0] =	sst s4  }
0x10e: {  	s1 =	sadd.s32 $0xE880, s1;
	[sflag:s6] =	ssyncset.done $0x0;
	[smem:$0x7F1] =	sst s5  }
0x10f: {  	[smem:$0x7F2] =	sst s1;
	[sflag:s6] =	ssyncadd.s32 $0xFFFFC000;
	s6 =	sand.u32 $0x1C00, s0  }
0x110: {  	s1 =	sor.u32 s8, s1;
	s5 =	sor.u32 $0x30, s23;
	s14 =	sadd.s32 $0x6880, s6  }
0x111: {  	[dreg:$0x8] =	wrdreg s1;
	s1 =	sadd.s32 $0x8A00, s6;
	s9 =	sor.u32 s5, s14  }
0x112: {  	s7 =	sor.u32 s5, s1;
	v37 =	vld [tilespmem:s9+$0x180]  }
0x113: {  	s3 =	sadd.s32 $0x8980, s6;
	v38 =	vld [tilespmem:s7+$0x0]  }
0x114: {  	s10 =	sor.u32 s5, s3;
	v39 =	vld [tilespmem:s9+$0x100]  }
0x115: {  	v40 =	vld [tilespmem:s10+$0x0]  }
0x116: {  	s19 =	sadd.s32 $0x8880, s6;
	v41 =	vld [tilespmem:s9+$0x0]  }
0x117: {  	s18 =	sadd.s32 $0x8900, s6;
	s11 =	sor.u32 s5, s19;
	v42 =	vld [tilespmem:s9+$0x80]  }
0x118: {  	s17 =	sadd.s32 $0x8A80, s6;
	s12 =	sor.u32 s5, s18;
	v43 =	vld [tilespmem:s11+$0x0]  }
0x119: {  	s16 =	sadd.s32 $0x8B00, s6;
	s13 =	sor.u32 s5, s17;
	v44 =	vld [tilespmem:s12+$0x0]  }
0x11a: {  	s4 =	sadd.s32 $0x8C00, s6;
	s20 =	sor.u32 s5, s16;
	v45 =	vld [tilespmem:s13+$0x0]  }
0x11b: {  	s24 =	sor.u32 s5, s4;
	v46 =	vld [tilespmem:s20+$0x0]  }
0x11c: {  	p0 =	por $0x0, $0x0;
	s7 =	simm.s32 $0x1;
	v51 =	vld [tilespmem:s24+$0x0];
	s11 =	sor.u32 s23, s14  }
0x11d: {  	s7 =	simm.s32 @!p0 $0x0;
	v59 =	vld [tilespmem:s11+$0x0]  }
0x11e: {  	s9 =	sadd.s32 $0x8B80, s6;
	s20 =	sor.u32 s23, s17;
	v60 =	vld [tilespmem:s11+$0x80];
	s7 =	sshll.u32 s7, $0x6  }
0x11f: {  	s22 =	sor.u32 s5, s9;
	v63 =	vld [tilespmem:s20+$0x0];
	s15 =	sadd.s32 $0x0, s7  }
0x120: {  	v49 =	vld [tilespmem:s22+$0x0];
	s30 =	sor.u32 $0x200, s15  }
0x121: {  	s7 =	sadd.s32 $0x30, s15;
	s31 =	sor.u32 $0x280, s15;
	v57 =	vld [tilespmem:s30+$0x6880]  }
0x122: {  	s8 =	sor.u32 $0x200, s7;
	v58 =	vld [tilespmem:s31+$0x6880]  }
0x123: {  	s21 =	sor.u32 $0x280, s7;
	v47 =	vld [tilespmem:s8+$0x6880]  }
0x124: {  	s10 =	sor.u32 $0x300, s7;
	v48 =	vld [tilespmem:s21+$0x6880]  }
0x125: {  	s13 =	sadd.s32 $0x10, s15;
	s7 =	sor.u32 $0x380, s7;
	v50 =	vld [tilespmem:s10+$0x6880]  }
0x126: {  	s25 =	sor.u32 $0x200, s13;
	v52 =	vld [tilespmem:s7+$0x6880]  }
0x127: {  	s12 =	sadd.s32 $0x20, s15;
	s26 =	sor.u32 $0x280, s13;
	v53 =	vld [tilespmem:s25+$0x6880]  }
0x128: {  	s28 =	sor.u32 $0x200, s12;
	v54 =	vld [tilespmem:s26+$0x6880]  }
0x129: {  	s29 =	sor.u32 $0x280, s12;
	v55 =	vld [tilespmem:s28+$0x6880]  }
0x12a: {  	v56 =	vld [tilespmem:s29+$0x6880];
	s8 =	sor.u32 s23, s19  }
0x12b: {  	s10 =	sor.u32 s23, s18;
	v61 =	vld [tilespmem:s8+$0x0]  }
0x12c: {  	s7 =	sor.u32 $0x10, s23;
	s21 =	sor.u32 s23, s16;
	v62 =	vld [tilespmem:s10+$0x0]  }
0x12d: {  	s10 =	sor.u32 s7, s14;
	v0 =	vld [tilespmem:s21+$0x0]  }
0x12e: {  	v4 =	vld [tilespmem:s10+$0x0]  }
0x12f: {  	s22 =	sor.u32 s7, s19;
	v5 =	vld [tilespmem:s10+$0x80]  }
0x130: {  	s20 =	sor.u32 s7, s18;
	v6 =	vld [tilespmem:s22+$0x0]  }
0x131: {  	v41 =	vmul.f32 v41, v23;
	v42 =	vmul.f32 v42, v25;
	s21 =	sor.u32 s7, s17;
	v7 =	vld [tilespmem:s20+$0x0]  }
0x132: {  	v43 =	vmul.f32 v43, v30;
	v44 =	vmul.f32 v44, v31;
	s8 =	sor.u32 $0x20, s23;
	s24 =	sor.u32 s7, s16;
	v8 =	vld [tilespmem:s21+$0x0]  }
0x133: {  	v45 =	vmul.f32 v45, v33;
	v46 =	vmul.f32 v46, v34;
	s14 =	sor.u32 s8, s14;
	v9 =	vld [tilespmem:s24+$0x0]  }
0x134: {  	v40 =	vmul.f32 v40, v32;
	v41 =	vadd.f32 v42, v41;
	v42 =	vadd.f32 v44, v43;
	v44 =	vld [tilespmem:s14+$0x0]  }
0x135: {  	v39 =	vmul.f32 v39, v26;
	v43 =	vmul.f32 v49, v35;
	v45 =	vadd.f32 v46, v45;
	s19 =	sor.u32 s8, s19;
	v46 =	vld [tilespmem:s14+$0x80]  }
0x136: {  	v36 =	vmul.f32 s2, v36;
	s18 =	sor.u32 s8, s18;
	v40 =	vadd.f32 v40, v42;
	v42 =	vld [tilespmem:s19+$0x0]  }
0x137: {  	v37 =	vmul.f32 v37, v21;
	s28 =	sor.u32 s23, s3;
	v39 =	vadd.f32 v39, v41;
	v43 =	vadd.f32 v43, v45;
	v45 =	vld [tilespmem:s18+$0x0]  }
0x138: {  	v38 =	vmul.f32 v38, v22;
	s17 =	sor.u32 s8, s17;
	v41 =	vmul.f32 v51, v24;
	v51 =	vld [tilespmem:s28+$0x0]  }
0x139: {  	s16 =	sor.u32 s8, s16;
	v47 =	vmul.f32 v47, v27;
	v48 =	vmul.f32 v48, v28;
	v37 =	vadd.f32 v37, v39;
	v39 =	vld [tilespmem:s17+$0x0]  }
0x13a: {  	s26 =	sor.u32 $0x300, s12;
	v52 =	vmul.f32 v52, v20;
	v38 =	vadd.f32 v38, v40;
	v41 =	vadd.f32 v41, v43;
	v43 =	vld [tilespmem:s16+$0x0]  }
0x13b: {  	s29 =	sor.u32 s23, s9;
	v40 =	vld [tilespmem:s26+$0x6880];
	v49 =	vmul.f32 v54, v28;
	v47 =	vadd.f32 v48, v47;
	v48 =	vmul.f32 v50, v29  }
0x13c: {  	s15 =	sor.u32 $0x300, s15;
	v54 =	vld [tilespmem:s29+$0x0];
	v4 =	vmul.f32 v4, v23;
	v5 =	vmul.f32 v5, v25  }
0x13d: {  	v38 =	vadd.f32 v41, v38;
	v41 =	vld [tilespmem:s15+$0x6880];
	v6 =	vmul.f32 v6, v30;
	v7 =	vmul.f32 v7, v31  }
0x13e: {  	v47 =	vadd.f32 v48, v47;
	v48 =	vmul.f32 v53, v27;
	v53 =	vmul.f32 v57, v27;
	v57 =	vld [tilespmem:s10+$0x100]  }
0x13f: {  	s17 =	sor.u32 s23, s1;
	v4 =	vadd.f32 v5, v4;
	v5 =	vmul.f32 v44, v23;
	v44 =	vmul.f32 v46, v25;
	v46 =	vld [tilespmem:s11+$0x180]  }
0x140: {  	s25 =	sor.u32 $0x300, s13;
	v6 =	vadd.f32 v7, v6;
	v7 =	vmul.f32 v42, v30;
	v42 =	vmul.f32 v45, v31;
	v45 =	vld [tilespmem:s17+$0x0]  }
0x141: {  	s31 =	sor.u32 s7, s9;
	v50 =	vmul.f32 v55, v27;
	v55 =	vmul.f32 v58, v28;
	v52 =	vadd.f32 v52, v47;
	v47 =	vld [tilespmem:s25+$0x6880]  }
0x142: {  	v58 =	vmul.f32 v60, v25;
	v48 =	vadd.f32 v49, v48;
	v49 =	vmul.f32 v62, v31;
	v62 =	vld [tilespmem:s31+$0x0]  }
0x143: {  	s30 =	sor.u32 s7, s3;
	v5 =	vadd.f32 v44, v5;
	v44 =	vld [tilespmem:s10+$0x180];
	v37 =	vadd.f32 v52, v37;
	v52 =	vmul.f32 v56, v28  }
0x144: {  	v56 =	vmul.f32 v59, v23;
	v59 =	vmul.f32 v61, v30;
	v61 =	vld [tilespmem:s30+$0x0]  }
0x145: {  	v8 =	vmul.f32 v8, v33;
	v9 =	vmul.f32 v9, v34;
	v37 =	vadd.f32 v38, v37;
	v38 =	vld [tilespmem:s11+$0x100]  }
0x146: {  	s9 =	sor.u32 s8, s9;
	v0 =	vmul.f32 v0, v34;
	v50 =	vadd.f32 v52, v50;
	v52 =	vmul.f32 v63, v33;
	v63 =	vld [tilespmem:s14+$0x100]  }
0x147: {  	s18 =	sor.u32 s23, s4;
	v8 =	vadd.f32 v9, v8;
	v9 =	vmul.f32 v39, v33;
	v56 =	vadd.f32 v58, v56;
	v58 =	vld [tilespmem:s9+$0x0]  }
0x148: {  	v7 =	vadd.f32 v42, v7;
	v49 =	vadd.f32 v49, v59;
	v59 =	vmul.f32 v43, v34;
	v43 =	vld [tilespmem:s18+$0x0]  }
0x149: {  	s16 =	sor.u32 $0x380, s12;
	v42 =	vmul.f32 v47, v29;
	v47 =	vmul.f32 v51, v32;
	v51 =	vld [tilespmem:s14+$0x180];
	v37 =	vadd.f32 v37, v36  }
0x14a: {  	s19 =	sor.u32 s7, s1;
	v53 =	vadd.f32 v55, v53;
	v0 =	vadd.f32 v0, v52;
	v52 =	vld [tilespmem:s16+$0x6880]  }
0x14b: {  	s20 =	sor.u32 s7, s4;
	v9 =	vadd.f32 v59, v9;
	v59 =	vmul.f32 v41, v29;
	v41 =	vld [tilespmem:s19+$0x0];
	v60 =	vand.u32 $0x7FFFFFFF, v37  }
0x14c: {  	s21 =	sor.u32 s8, s1;
	v42 =	vadd.f32 v42, v48;
	v48 =	vld [tilespmem:s20+$0x0];
	v60 =	vmul.f32 $-2.000000000e+00, v60  }
0x14d: {  	s0 =	sor.u32 s0, s0;
	s3 =	sor.u32 s8, s3;
	v39 =	vadd.f32 v59, v53;
	v59 =	vmul.f32 v54, v35;
	v53 =	vld [tilespmem:s21+$0x0]  }
0x14e: {  	s0 =	sor.u32 $0x380, s0;
	s16 =	simm.s32 $0x200;
	v38 =	vmul.f32 v38, v26;
	v55 =	vmul.f32 $1.442695020e+00, v60;
	v60 =	vld [tilespmem:s3+$0x0];
	s3 =	simm.s32 $0x40  }
0x14f: {  	s22 =	sor.u32 s8, s4;
	v40 =	vmul.f32 v40, v29;
	s1 =	sand.u32 $0x1C00, s16;
	v0 =	vadd.f32 v59, v0;
	v59 =	vld [tilespmem:s0+$0x6880];
	s12 =	sand.u32 $0x40, s3  }
0x150: {  	s15 =	sor.u32 $0x380, s13;
	v45 =	vmul.f32 v45, v22;
	v62 =	vmul.f32 v62, v35;
	s4 =	sadd.s32 $0x6880, s1;
	v38 =	vadd.f32 v38, v56;
	v56 =	vld [tilespmem:s22+$0x0];
	s13 =	sor.u32 $0x30, s12  }
0x151: {  	v61 =	vmul.f32 v61, v32;
	(erf) = vpow2.f32 v55;
	v55 =	vld [tilespmem:s15+$0x6880];
	s24 =	sor.u32 s13, s4  }
0x152: {  	v40 =	vadd.f32 v40, v50;
	v47 =	vadd.f32 v47, v49;
	v49 =	vmul.f32 v57, v26;
	s0 =	sadd.s32 $0x8980, s1;
	v54 =	vld [tilespmem:s24+$0x180]  }
0x153: {  	v6 =	vadd.f32 v61, v6;
	v61 =	vmul.f32 v58, v35;
	v52 =	vmul.f32 v52, v20;
	s26 =	sor.u32 s13, s0;
	v50 =	vld [tilespmem:s24+$0x100]  }
0x154: {  	p0 =	por !p0, !p0;
	s9 =	simm.s32 $0x1;
	v8 =	vadd.f32 v62, v8;
	v4 =	vadd.f32 v49, v4;
	v43 =	vmul.f32 v43, v24;
	v49 =	vld [tilespmem:s26+$0x0]  }
0x155: {  	v44 =	vmul.f32 v44, v21;
	s9 =	simm.s32 @!p0 $0x0;
	s21 =	sadd.s32 $0x8880, s1;
	v9 =	vadd.f32 v61, v9;
	v40 =	vadd.f32 v52, v40;
	v52 =	vld [tilespmem:s24+$0x0]  }
0x156: {  	s9 =	sshll.u32 s9, $0x6;
	s22 =	sadd.s32 $0x8900, s1;
	v41 =	vmul.f32 v41, v22;
	v0 =	vadd.f32 v43, v0;
	v61 =	vmul.f32 v48, v24;
	s28 =	sor.u32 s13, s21;
	v43 =	vld [tilespmem:s24+$0x80]  }
0x157: {  	s17 =	sadd.s32 $0x200, s9;
	s18 =	sadd.s32 $0x8A80, s1;
	v45 =	vadd.f32 v45, v47;
	v4 =	vadd.f32 v44, v4;
	s29 =	sor.u32 s13, s22;
	v47 =	vld [tilespmem:s28+$0x0]  }
0x158: {  	s31 =	sadd.s32 $0x30, s17;
	v63 =	vmul.f32 v63, v26;
	v6 =	vadd.f32 v41, v6;
	s30 =	sor.u32 s13, s18;
	v8 =	vadd.f32 v61, v8;
	v44 =	vld [tilespmem:s29+$0x0]  }
0x159: {  	v46 =	vmul.f32 v46, v21;
	s19 =	sor.u32 $0x200, s31;
	v0 =	vadd.f32 v0, v45;
	v45 =	vld [tilespmem:s30+$0x0];
	v57 =	vmul.f32 v59, v20  }
0x15a: {  	v5 =	vadd.f32 v63, v5;
	s24 =	sor.u32 $0x280, s31;
	v6 =	vadd.f32 v8, v6;
	v8 =	vld [tilespmem:s19+$0x6880];
	v63 =	vmul.f32 v55, v20  }
0x15b: {  	v38 =	vadd.f32 v46, v38;
	s26 =	sor.u32 $0x300, s31;
	v59 =	vld [tilespmem:s24+$0x6880];
	v39 =	vadd.f32 v57, v39  }
0x15c: {  	s14 =	sadd.s32 $0x8A00, s1;
	s15 =	sor.u32 $0x380, s31;
	v60 =	vmul.f32 v60, v32;
	v61 =	vld [tilespmem:s26+$0x6880];
	v42 =	vadd.f32 v63, v42;
	v63 =	vmul.f32 v53, v22  }
0x15d: {  	s20 =	sadd.s32 $0x8B00, s1;
	s25 =	sor.u32 s13, s14;
	v57 =	vld [tilespmem:s15+$0x6880];
	v38 =	vadd.f32 v39, v38;
	v53 =	vmul.f32 v56, v24;
	v41 =	vmul.f32 v50, v26  }
0x15e: {  	s9 =	sadd.s32 $0x8C00, s1;
	s11 =	sor.u32 s13, s20;
	v7 =	vadd.f32 v60, v7;
	v55 =	vld [tilespmem:s25+$0x0];
	v49 =	vmul.f32 v49, v32;
	v43 =	vmul.f32 v43, v25  }
0x15f: {  	s28 =	sor.u32 s13, s9;
	v56 =	vld [tilespmem:s11+$0x0];
	s11 =	sadd.s32 $0x10, s17;
	v44 =	vmul.f32 v44, v31;
	v0 =	vadd.f32 v0, v38;
	v4 =	vadd.f32 v42, v4  }
0x160: {  	s29 =	sor.u32 $0x200, s11;
	v8 =	vmul.f32 v8, v27;
	v62 =	vpop (erf);
	v7 =	vadd.f32 v63, v7;
	v9 =	vadd.f32 v53, v9;
	v63 =	vld [tilespmem:s28+$0x0]  }
0x161: {  	s10 =	sadd.s32 $0x8B80, s1;
	s30 =	sor.u32 $0x280, s11;
	v39 =	vld [tilespmem:s29+$0x6880];
	v42 =	vmul.f32 v59, v28;
	v60 =	vadd.f32 $1.000000000e+00, v62;
	v58 =	vsub.f32 $1.000000000e+00, v62  }
0x162: {  	s25 =	sor.u32 s13, s10;
	v53 =	vld [tilespmem:s30+$0x6880];
	v62 =	vmul.f32 v51, v21;
	v0 =	vadd.f32 v0, v36;
	v4 =	vadd.f32 v6, v4  }
0x163: {  	s15 =	sadd.s32 $0x20, s17;
	s30 =	sor.u32 s12, s20;
	v7 =	vadd.f32 v9, v7;
	v9 =	vmul.f32 v47, v30;
	(erf) = vrcp.f32 v60;
	v60 =	vld [tilespmem:s25+$0x0]  }
0x164: {  	s19 =	sor.u32 $0x280, s15;
	v45 =	vmul.f32 v45, v33;
	v8 =	vadd.f32 v42, v8;
	v42 =	vld [tilespmem:s30+$0x0];
	v5 =	vadd.f32 v62, v5  }
0x165: {  	s31 =	sor.u32 $0x200, s15;
	v62 =	vmul.f32 v52, v23;
	v48 =	vmul.f32 v56, v34;
	v9 =	vadd.f32 v44, v9;
	v44 =	vld [tilespmem:s19+$0x6880]  }
0x166: {  	s25 =	sor.u32 $0x280, s17;
	v4 =	vadd.f32 v4, v36;
	v5 =	vadd.f32 v40, v5;
	v40 =	vmul.f32 v54, v21;
	v54 =	vld [tilespmem:s31+$0x6880]  }
0x167: {  	s29 =	sor.u32 s12, s18;
	v6 =	vadd.f32 v43, v62;
	v45 =	vadd.f32 v48, v45;
	v62 =	vmul.f32 v63, v24;
	v63 =	vld [tilespmem:s25+$0x6880];
	s25 =	sor.u32 $0x10, s12  }
0x168: {  	s19 =	sor.u32 s25, s22;
	v5 =	vadd.f32 v7, v5;
	v7 =	vld [tilespmem:s29+$0x0];
	v59 =	vmul.f32 v60, v35;
	v60 =	vmul.f32 v61, v29  }
0x169: {  	s24 =	sor.u32 $0x200, s17;
	v46 =	vmul.f32 v55, v22;
	v9 =	vadd.f32 v49, v9;
	v6 =	vadd.f32 v41, v6;
	v52 =	vld [tilespmem:s19+$0x0]  }
0x16a: {  	s28 =	sor.u32 s12, s22;
	v56 =	vmul.f32 v57, v20;
	v61 =	vld [tilespmem:s24+$0x6880];
	v8 =	vadd.f32 v60, v8;
	v43 =	vadd.f32 v59, v45  }
0x16b: {  	s26 =	sor.u32 s12, s21;
	v9 =	vadd.f32 v46, v9;
	v6 =	vadd.f32 v40, v6;
	v40 =	vld [tilespmem:s28+$0x0]  }
0x16c: {  	v39 =	vmul.f32 v39, v27;
	s24 =	sor.u32 s12, s4;
	v45 =	vld [tilespmem:s26+$0x0];
	v8 =	vadd.f32 v56, v8;
	v41 =	vadd.f32 v62, v43  }
0x16d: {  	s19 =	sor.u32 $0x20, s12;
	v46 =	vmul.f32 v53, v28;
	v5 =	vadd.f32 v5, v36;
	v44 =	vmul.f32 v44, v28;
	s28 =	sor.u32 s25, s20;
	v59 =	vld [tilespmem:s24+$0x80]  }
0x16e: {  	s2 =	sor.u32 s19, s4;
	v51 =	vmul.f32 v54, v27;
	v54 =	vld [tilespmem:s28+$0x0];
	v6 =	vadd.f32 v8, v6;
	v8 =	vadd.f32 v41, v9  }
0x16f: {  	v49 =	vmul.f32 v63, v28;
	s28 =	sor.u32 s25, s4;
	v39 =	vadd.f32 v46, v39;
	v46 =	vld [tilespmem:s2+$0x0];
	v60 =	vand.u32 $0x7FFFFFFF, v5;
	v57 =	vpop (erf)  }
0x170: {  	v50 =	vmul.f32 $-2.000000000e+00, v60;
	v56 =	vld [tilespmem:s28+$0x0];
	v38 =	vmul.f32 v57, v58;
	v6 =	vadd.f32 v8, v6  }
0x171: {  	v60 =	vld [tilespmem:s28+$0x80];
	v48 =	vmul.f32 v61, v27;
	v61 =	vand.u32 $0x7FFFFFFF, v0;
	v9 =	vand.u32 $0x7FFFFFFF, v4  }
0x172: {  	s30 =	sor.u32 s19, s22;
	v58 =	vld [tilespmem:s24+$0x0];
	v55 =	vmul.f32 $-2.000000000e+00, v61;
	v9 =	vmul.f32 $-2.000000000e+00, v9;
	v41 =	vadd.f32 v6, v36  }
0x173: {  	v37 =	vand.u32 $0x80000000, v37;
	s29 =	sor.u32 s19, s21;
	v57 =	vld [tilespmem:s30+$0x0];
	v47 =	vmul.f32 v59, v25;
	v45 =	vmul.f32 v45, v30  }
0x174: {  	s31 =	sor.u32 s25, s21;
	s26 =	sor.u32 s25, s18;
	v59 =	vld [tilespmem:s29+$0x0];
	v53 =	vor.u32 v38, v37;
	v38 =	vmul.f32 v40, v31;
	v62 =	vand.u32 $0x7FFFFFFF, v41  }
0x175: {  	v37 =	vand.u32 $0x80000000, v4;
	v4 =	vmul.f32 v7, v33;
	v8 =	vld [tilespmem:s31+$0x0];
	s31 =	sor.u32 s19, s18;
	s18 =	sor.u32 s19, s20;
	s20 =	sor.u32 $0x300, s11;
	v63 =	vmul.f32 $-2.000000000e+00, v62  }
0x176: {  	v7 =	vmul.f32 v42, v34;
	v9 =	vmul.f32 $1.442695020e+00, v9;
	v42 =	vld [tilespmem:s20+$0x6880]  }
0x177: {  	v6 =	vld [tilespmem:s26+$0x0];
	v43 =	vmul.f32 v58, v23;
	v61 =	vmul.f32 $1.442695020e+00, v63  }
0x178: {  	s21 =	sor.u32 $0x300, s15;
	v60 =	vmul.f32 v60, v25;
	v4 =	vadd.f32 v7, v4;
	v7 =	vmul.f32 v54, v34;
	v54 =	vld [tilespmem:s24+$0x100]  }
0x179: {  	v43 =	vadd.f32 v47, v43;
	v47 =	vld [tilespmem:s21+$0x6880];
	v62 =	vmul.f32 $1.442695020e+00, v50;
	(erf) = vpow2.f32 v61  }
0x17a: {  	v48 =	vadd.f32 v49, v48;
	v50 =	vld [tilespmem:s2+$0x80];
	v8 =	vmul.f32 v8, v30;
	v63 =	vmul.f32 v56, v23  }
0x17b: {  	s22 =	sor.u32 $0x300, s17;
	v45 =	vadd.f32 v38, v45;
	v61 =	vmul.f32 $1.442695020e+00, v55;
	v55 =	vld [tilespmem:s18+$0x0];
	(erf) = vpow2.f32 v9  }
0x17c: {  	v42 =	vmul.f32 v42, v29;
	v6 =	vmul.f32 v6, v33;
	v49 =	vadd.f32 v60, v63;
	v60 =	vld [tilespmem:s22+$0x6880]  }
0x17d: {  	v38 =	vand.u32 $0x80000000, v5;
	s26 =	sor.u32 s12, s0;
	v63 =	vmul.f32 v46, v23;
	v9 =	vld [tilespmem:s31+$0x0];
	(erf) = vpow2.f32 v62  }
0x17e: {  	s29 =	sor.u32 s12, s10;
	v5 =	vadd.f32 v7, v6;
	v7 =	vld [tilespmem:s26+$0x0];
	v62 =	vmul.f32 v52, v31;
	(erf) = vpow2.f32 v61  }
0x17f: {  	v40 =	vadd.f32 v44, v51;
	v46 =	vld [tilespmem:s29+$0x0];
	v47 =	vmul.f32 v47, v29;
	v58 =	vmul.f32 v50, v25  }
0x180: {  	v61 =	vmul.f32 v59, v30;
	v8 =	vadd.f32 v62, v8;
	v62 =	vmul.f32 v57, v31  }
0x181: {  	v6 =	vadd.f32 v58, v63;
	v57 =	vld [tilespmem:s28+$0x100];
	v63 =	vmul.f32 v55, v34;
	v50 =	vmul.f32 v60, v29  }
0x182: {  	s30 =	sor.u32 s25, s0;
	v60 =	vadd.f32 v42, v39;
	v39 =	vmul.f32 v54, v26;
	v9 =	vmul.f32 v9, v33;
	v51 =	vpop (erf)  }
0x183: {  	s31 =	sor.u32 s25, s10;
	v58 =	vld [tilespmem:s30+$0x0];
	v7 =	vmul.f32 v7, v32;
	v52 =	vadd.f32 v62, v61;
	v55 =	vadd.f32 $1.000000000e+00, v51  }
0x184: {  	v54 =	vld [tilespmem:s31+$0x0];
	v46 =	vmul.f32 v46, v35;
	v9 =	vadd.f32 v63, v9;
	v63 =	vadd.f32 v47, v40;
	v56 =	vpop (erf)  }
0x185: {  	s0 =	sor.u32 s19, s0;
	v40 =	vadd.f32 v50, v48;
	v48 =	vld [tilespmem:s2+$0x100];
	v44 =	vadd.f32 $1.000000000e+00, v56;
	(erf) = vrcp.f32 v55  }
0x186: {  	s18 =	sor.u32 s19, s10;
	v42 =	vadd.f32 v39, v43;
	v39 =	vand.u32 $0x80000000, v0;
	v50 =	vld [tilespmem:s0+$0x0];
	v0 =	vmul.f32 v57, v26;
	v59 =	vpop (erf)  }
0x187: {  	v55 =	vadd.f32 $1.000000000e+00, v59;
	v61 =	vpop (erf);
	(erf) = vrcp.f32 v44;
	v44 =	vadd.f32 v7, v45;
	v7 =	vld [tilespmem:s18+$0x0]  }
0x188: {  	v47 =	vadd.f32 v46, v4;
	v4 =	vmul.f32 v58, v32;
	v62 =	vadd.f32 $1.000000000e+00, v61  }
0x189: {  	s20 =	sor.u32 $0x380, s11;
	v45 =	vadd.f32 v0, v49;
	v0 =	vmul.f32 v54, v35;
	(erf) = vrcp.f32 v55  }
0x18a: {  	s21 =	sor.u32 $0x380, s15;
	v57 =	vld [tilespmem:s20+$0x6880];
	v46 =	vadd.f32 v4, v8;
	v4 =	vmul.f32 v48, v26  }
0x18b: {  	s17 =	rddreg [dreg:$0x8];
	s11 =	sor.u32 s19, s14;
	v54 =	vld [tilespmem:s21+$0x6880];
	(erf) = vrcp.f32 v62;
	v48 =	vadd.f32 v0, v5  }
0x18c: {  	s15 =	simm.s32 $0x4;
	s22 =	sor.u32 s12, s14;
	s26 =	sor.u32 s16, s3;
	v62 =	vld [tilespmem:s24+$0x180];
	v0 =	vmul.f32 v50, v32;
	v49 =	vadd.f32 v4, v6;
	v4 =	vmul.f32 v7, v35  }
0x18d: {  	s29 =	sor.u32 s25, s14;
	s30 =	sor.u32 s25, s9;
	s0 =	sadd.s32 s6, s17;
	v8 =	vld [tilespmem:s22+$0x0];
	v5 =	vsub.f32 $1.000000000e+00, v51  }
0x18e: {  	s10 =	sor.u32 s19, s9;
	v58 =	vld [tilespmem:s30+$0x0];
	s20 =	sadd.s32 s23, s0;
	s23 =	rddreg [dreg:$0x8];
	v50 =	vadd.f32 v0, v52;
	v52 =	vadd.f32 v4, v9;
	v4 =	vand.u32 $0x80000000, v41;
	v6 =	vpop (erf)  }
0x18f: {  	s6 =	simm.s32 $0x400;
	s5 =	sadd.s32 s5, s0;
	s1 =	sadd.s32 s1, s23;
	v10 =	vsub.f32 $1.000000000e+00, v56;
	v56 =	vld [tilespmem:s28+$0x180];
	v7 =	vmul.f32 v57, v20;
	v0 =	vmul.f32 v6, v5  }
0x190: {  	[tilespmem:s5+$0x0] =	vst v53;
	s4 =	sadd.s32 s12, s1;
	s5 =	sadd.s32 s25, s1;
	v43 =	vsub.f32 $1.000000000e+00, v59;
	v59 =	vld [tilespmem:s2+$0x180];
	s24 =	sor.u32 s12, s9;
	v51 =	vsub.f32 $1.000000000e+00, v61;
	v5 =	vmul.f32 v54, v20  }
0x191: {  	s31 =	sadd.s32 s13, s1;
	s2 =	sadd.s32 s19, s1;
	s18 =	sadd.s32 s7, s0;
	v55 =	vld [tilespmem:s24+$0x0];
	v61 =	vmul.f32 v62, v21;
	v53 =	vadd.f32 v7, v60;
	v0 =	vor.u32 v0, v4;
	v4 =	vpop (erf)  }
0x192: {  	s21 =	sadd.s32 s8, s0;
	s7 =	simm.s32 $0x80;
	s9 =	sor.u32 $0x380, s26;
	v57 =	vld [tilespmem:s29+$0x0];
	v62 =	vmul.f32 v8, v22;
	v41 =	vadd.f32 v5, v63;
	[tilespmem:s31+$0x0] =	vst v0;
	v54 =	vmul.f32 v4, v10;
	v60 =	vpop (erf)  }
.LBB2_3:
0x193: {  	[dreg:$0x1c] =	wrdreg s5  }
0x194: {  	[dreg:$0x1a] =	wrdreg s2  }
0x195: {  	s8 =	sand.u32 $0x40, s7;
	s24 =	sand.u32 $0x1C00, s6;
	s0 =	sor.u32 s6, s7  }
0x196: {  	v5 =	vld [tilespmem:s11+$0x0];
	p0 =	por !p0, !p0;
	s28 =	sadd.s32 $0x6880, s24;
	s12 =	sor.u32 $0x30, s8  }
0x197: {  	v10 =	vld [tilespmem:s10+$0x0];
	[dreg:$0x18] =	wrdreg s0;
	s10 =	sadd.s32 $0x8A00, s24;
	s1 =	sor.u32 s12, s28  }
0x198: {  	s13 =	sor.u32 $0x10, s8;
	v8 =	vadd.f32 v62, v44;
	s14 =	sor.u32 $0x20, s8;
	s30 =	sor.u32 s12, s10;
	v44 =	vld [tilespmem:s1+$0x180]  }
0x199: {  	v0 =	vadd.f32 v61, v42;
	s31 =	sadd.s32 $0x8980, s24;
	s2 =	sadd.s32 $0x8880, s24;
	s29 =	sor.u32 s8, s28;
	v61 =	vld [tilespmem:s30+$0x0]  }
0x19a: {  	v6 =	vmul.f32 v60, v43;
	v37 =	vor.u32 v54, v37;
	s3 =	sor.u32 s13, s28;
	s0 =	sor.u32 s14, s28;
	s5 =	sor.u32 s8, s31;
	v63 =	vld [tilespmem:s1+$0x100];
	v4 =	vmul.f32 v55, v24  }
0x19b: {  	[tilespmem:s18+$0x0] =	vst v37;
	s18 =	sor.u32 s12, s2;
	[dreg:$0x16] =	wrdreg s3;
	s3 =	simm.s32 $0x1;
	v54 =	vld [tilespmem:s1+$0x80];
	v9 =	vmul.f32 v56, v21;
	v60 =	vmul.f32 v58, v24  }
0x19c: {  	[dreg:$0x12] =	wrdreg s5;
	s5 =	sadd.s32 $0x8B80, s24;
	v56 =	vld [tilespmem:s9+$0x6880];
	v57 =	vmul.f32 v57, v22;
	v62 =	vmul.f32 v59, v21;
	s3 =	simm.s32 @!p0 $0x0;
	v4 =	vadd.f32 v4, v47  }
0x19d: {  	s16 =	sor.u32 s13, s10;
	v55 =	vld [tilespmem:s18+$0x0];
	s28 =	sor.u32 s12, s5;
	v5 =	vmul.f32 v5, v22;
	s3 =	sshll.u32 s3, $0x6;
	v9 =	vadd.f32 v9, v45;
	v48 =	vadd.f32 v60, v48  }
0x19e: {  	s17 =	sor.u32 s14, s31;
	[dreg:$0xd] =	wrdreg s16;
	v10 =	vmul.f32 v10, v24;
	v59 =	vld [tilespmem:s28+$0x0];
	v37 =	vadd.f32 v62, v49;
	s16 =	sadd.s32 s3, s6;
	v4 =	vadd.f32 v4, v8  }
0x19f: {  	s11 =	sor.u32 s12, s31;
	[dreg:$0xf] =	wrdreg s17;
	s17 =	sadd.s32 $0x30, s16;
	v7 =	vpop (erf);
	v8 =	vadd.f32 v57, v46;
	v9 =	vadd.f32 v53, v9;
	v53 =	vld [tilespmem:s1+$0x0]  }
0x1a0: {  	v5 =	vadd.f32 v5, v50;
	v10 =	vadd.f32 v10, v52;
	s22 =	sor.u32 $0x200, s17;
	v7 =	vmul.f32 v7, v51;
	v51 =	vld [tilespmem:s11+$0x0]  }
0x1a1: {  	[smem:$0x7E9] =	sst s4;
	s23 =	sor.u32 $0x280, s17;
	v42 =	vmul.f32 v56, v20;
	v57 =	vld [tilespmem:s22+$0x6880];
	v8 =	vadd.f32 v48, v8  }
0x1a2: {  	s4 =	sor.u32 s8, s10;
	v6 =	vor.u32 v6, v38;
	v37 =	vadd.f32 v41, v37;
	s28 =	sor.u32 $0x380, s17;
	s11 =	sadd.s32 $0x8B00, s24;
	v5 =	vadd.f32 v10, v5;
	v58 =	vld [tilespmem:s23+$0x6880]  }
0x1a3: {  	[dreg:$0x14] =	wrdreg s0;
	s0 =	sadd.s32 $0x8900, s24;
	[tilespmem:s21+$0x0] =	vst v6;
	v6 =	vmul.f32 v63, v26;
	v63 =	vld [tilespmem:s28+$0x6880];
	s21 =	sor.u32 s12, s11;
	v40 =	vadd.f32 v42, v40;
	v8 =	vadd.f32 v8, v9  }
0x1a4: {  	[dreg:$0xe] =	wrdreg s4;
	s4 =	sadd.s32 $0x8A80, s24;
	s19 =	sor.u32 s12, s0;
	v7 =	vor.u32 v7, v39;
	v56 =	vld [tilespmem:s21+$0x0];
	v5 =	vadd.f32 v5, v37  }
0x1a5: {  	s23 =	sadd.s32 $0x8C00, s24;
	v41 =	vmul.f32 v55, v30;
	[tilespmem:s20+$0x0] =	vst v7;
	v9 =	vld [tilespmem:s19+$0x0];
	s20 =	sor.u32 s12, s4;
	v0 =	vadd.f32 v40, v0;
	v8 =	vadd.f32 v8, v36  }
0x1a6: {  	s22 =	sor.u32 s12, s23;
	v55 =	vmul.f32 v59, v35;
	v7 =	vmul.f32 v54, v25;
	v10 =	vld [tilespmem:s20+$0x0];
	v5 =	vadd.f32 v5, v36  }
0x1a7: {  	s9 =	sor.u32 s13, s31;
	s31 =	sor.u32 $0x300, s17;
	v62 =	vld [tilespmem:s22+$0x0];
	v60 =	vmul.f32 v53, v23;
	v0 =	vadd.f32 v4, v0;
	v37 =	vand.u32 $0x80000000, v8  }
0x1a8: {  	s19 =	sor.u32 s8, s2;
	v4 =	vand.u32 $0x7FFFFFFF, v8;
	v8 =	vmul.f32 v44, v21;
	v44 =	vmul.f32 v61, v22;
	v61 =	vld [tilespmem:s31+$0x6880]  }
0x1a9: {  	s1 =	sor.u32 s8, s0;
	v48 =	vld [tilespmem:s19+$0x0];
	v45 =	vmul.f32 v51, v32;
	v42 =	vmul.f32 v57, v27  }
0x1aa: {  	[dreg:$0x1b] =	wrdreg s29;
	s3 =	sor.u32 s8, s4;
	s18 =	sadd.s32 $0x20, s16;
	v50 =	vld [tilespmem:s1+$0x0];
	v43 =	vmul.f32 v58, v28;
	v49 =	vand.u32 $0x7FFFFFFF, v5;
	v9 =	vmul.f32 v9, v31  }
0x1ab: {  	[dreg:$0x10] =	wrdreg s9;
	s9 =	sadd.s32 $0x10, s16;
	s29 =	sor.u32 $0x280, s18;
	v52 =	vld [tilespmem:s3+$0x0];
	v7 =	vadd.f32 v7, v60;
	v40 =	vmul.f32 v56, v34;
	v10 =	vmul.f32 v10, v33  }
0x1ac: {  	s25 =	sor.u32 $0x200, s9;
	v58 =	vld [tilespmem:s29+$0x6880];
	v38 =	vand.u32 $0x80000000, v5;
	v42 =	vadd.f32 v43, v42;
	v9 =	vadd.f32 v9, v41  }
0x1ad: {  	s26 =	sor.u32 $0x200, s18;
	v5 =	vld [tilespmem:s25+$0x6880];
	v0 =	vadd.f32 v0, v36;
	v10 =	vadd.f32 v40, v10;
	v57 =	vmul.f32 v61, v29  }
0x1ae: {  	s21 =	sor.u32 $0x280, s16;
	s20 =	sor.u32 $0x200, s16;
	v56 =	vld [tilespmem:s26+$0x6880];
	s26 =	sor.u32 s8, s5;
	v6 =	vadd.f32 v6, v7;
	v59 =	vadd.f32 v45, v9;
	v9 =	vmul.f32 v62, v24  }
0x1af: {  	v60 =	vld [tilespmem:s20+$0x6880];
	[smem:$0x7EC] =	sst s26;
	s26 =	sor.u32 s13, s5;
	s5 =	sor.u32 s14, s5;
	v61 =	vmul.f32 v63, v20;
	v10 =	vadd.f32 v55, v10;
	v42 =	vadd.f32 v57, v42  }
0x1b0: {  	s30 =	sor.u32 $0x280, s9;
	[dreg:$0x1e] =	wrdreg s5;
	v51 =	vand.u32 $0x7FFFFFFF, v0;
	v6 =	vadd.f32 v8, v6;
	v62 =	vld [tilespmem:s21+$0x6880];
	v7 =	vadd.f32 v44, v59  }
0x1b1: {  	s5 =	rddreg [dreg:$0x1b];
	v39 =	vand.u32 $0x80000000, v0;
	v0 =	vld [tilespmem:s30+$0x6880];
	v9 =	vadd.f32 v9, v10;
	v42 =	vadd.f32 v61, v42  }
0x1b2: {  	v8 =	vld [tilespmem:s5+$0x0]  }
0x1b3: {  	s31 =	sor.u32 s13, s2;
	v40 =	vmul.f32 v58, v28;
	v10 =	vld [tilespmem:s5+$0x80];
	v7 =	vadd.f32 v9, v7;
	v6 =	vadd.f32 v42, v6  }
0x1b4: {  	s2 =	sor.u32 s14, s2;
	v54 =	vmul.f32 $-2.000000000e+00, v51;
	v58 =	vld [tilespmem:s31+$0x0];
	v45 =	vmul.f32 v52, v33  }
0x1b5: {  	s1 =	rddreg [dreg:$0x16];
	v52 =	vld [tilespmem:s2+$0x0];
	v9 =	vmul.f32 v60, v27;
	v41 =	vmul.f32 v62, v28;
	v6 =	vadd.f32 v7, v6  }
0x1b6: {  	s22 =	sor.u32 s13, s0;
	v4 =	vmul.f32 $-2.000000000e+00, v4;
	s30 =	sor.u32 s14, s0;
	s0 =	sor.u32 s14, s4;
	v63 =	vmul.f32 v56, v27;
	v55 =	vld [tilespmem:s1+$0x0]  }
0x1b7: {  	v43 =	vmul.f32 $1.442695020e+00, v54;
	v54 =	vld [tilespmem:s0+$0x0];
	v9 =	vadd.f32 v41, v9;
	v41 =	vadd.f32 v6, v36  }
0x1b8: {  	s3 =	rddreg [dreg:$0x14];
	v57 =	vld [tilespmem:s1+$0x80];
	v53 =	vmul.f32 v8, v23;
	v10 =	vmul.f32 v10, v25  }
0x1b9: {  	s17 =	sor.u32 s8, s11;
	s28 =	sor.u32 s13, s11;
	s11 =	sor.u32 s14, s11;
	v56 =	vmul.f32 v48, v30;
	v40 =	vadd.f32 v40, v63;
	v63 =	vld [tilespmem:s3+$0x80];
	v59 =	vand.u32 $0x7FFFFFFF, v41  }
0x1ba: {  	[smem:$0x7EA] =	sst s11;
	s11 =	sor.u32 $0x380, s9;
	v8 =	vld [tilespmem:s17+$0x0];
	v7 =	vadd.f32 v10, v53;
	v10 =	vmul.f32 v50, v31;
	v47 =	vmul.f32 $-2.000000000e+00, v59  }
0x1bb: {  	[smem:$0x7EE] =	sst s11;
	s16 =	sor.u32 $0x300, s16;
	s25 =	sor.u32 s13, s4;
	v5 =	vmul.f32 v5, v27;
	v0 =	vmul.f32 v0, v28;
	v61 =	vld [tilespmem:s28+$0x0]  }
0x1bc: {  	[smem:$0x7EB] =	sst s16;
	s16 =	sor.u32 $0x300, s18;
	s18 =	sor.u32 $0x380, s18;
	v4 =	vmul.f32 $1.442695020e+00, v4;
	v6 =	vadd.f32 v10, v56;
	v10 =	vld [tilespmem:s25+$0x0];
	v47 =	vmul.f32 $1.442695020e+00, v47  }
0x1bd: {  	[dreg:$0x1d] =	wrdreg s18;
	v0 =	vadd.f32 v0, v5;
	v5 =	vmul.f32 $-2.000000000e+00, v49;
	v60 =	vld [tilespmem:s22+$0x0];
	v46 =	vmul.f32 v55, v23  }
0x1be: {  	s20 =	rddreg [dreg:$0x18];
	s4 =	sor.u32 $0x300, s9;
	v62 =	vld [tilespmem:s3+$0x0];
	v44 =	vmul.f32 v57, v25;
	(erf) = vpow2.f32 v47  }
0x1bf: {  	s31 =	rddreg [dreg:$0x12];
	v5 =	vmul.f32 $1.442695020e+00, v5;
	v57 =	vld [tilespmem:s4+$0x6880]  }
0x1c0: {  	[smem:$0x7ED] =	sst s26;
	v46 =	vadd.f32 v44, v46;
	v44 =	vld [tilespmem:s31+$0x0];
	(erf) = vpow2.f32 v4  }
0x1c1: {  	s28 =	sld [smem:$0x7EA];
	v4 =	vmul.f32 v10, v33;
	v10 =	vld [tilespmem:s30+$0x0];
	(erf) = vpow2.f32 v5  }
0x1c2: {  	v42 =	vmul.f32 v58, v30;
	v53 =	vmul.f32 v61, v34;
	v61 =	vld [tilespmem:s5+$0x100];
	s30 =	sld [smem:$0x7EB]  }
0x1c3: {  	v58 =	vmul.f32 v63, v25;
	v8 =	vmul.f32 v8, v34;
	v59 =	vld [tilespmem:s16+$0x6880];
	s16 =	sld [smem:$0x7ED]  }
0x1c4: {  	s2 =	sld [smem:$0x7EC];
	v51 =	vmul.f32 v60, v31;
	v56 =	vld [tilespmem:s28+$0x0];
	(erf) = vpow2.f32 v43  }
0x1c5: {  	s22 =	sld [smem:$0x7EE];
	v8 =	vadd.f32 v8, v45;
	v55 =	vmul.f32 v62, v23;
	v48 =	vmul.f32 v57, v29;
	v60 =	vld [tilespmem:s30+$0x6880]  }
0x1c6: {  	s4 =	rddreg [dreg:$0x10];
	v47 =	vmul.f32 v52, v30;
	v4 =	vadd.f32 v53, v4;
	v53 =	vld [tilespmem:s16+$0x0];
	v10 =	vmul.f32 v10, v31  }
0x1c7: {  	s11 =	sor.u32 s14, s10;
	s10 =	sor.u32 s14, s23;
	s21 =	sld [smem:$0x7E9];
	v0 =	vadd.f32 v48, v0;
	v48 =	vld [tilespmem:s4+$0x0];
	v5 =	vadd.f32 v51, v42;
	v42 =	vmul.f32 v61, v26;
	v52 =	vpop (erf)  }
0x1c8: {  	s29 =	sor.u32 s8, s23;
	s26 =	sor.u32 s13, s23;
	s23 =	rddreg [dreg:$0x1c];
	v62 =	vmul.f32 v54, v33;
	v10 =	vadd.f32 v10, v47;
	v47 =	vld [tilespmem:s2+$0x0];
	v63 =	vadd.f32 $1.000000000e+00, v52  }
0x1c9: {  	s9 =	sor.u32 $0x380, s20;
	s18 =	smov.u32 s23;
	s23 =	rddreg [dreg:$0x1a];
	v45 =	vmul.f32 v56, v34;
	v49 =	vmul.f32 v59, v29;
	v42 =	vadd.f32 v42, v7;
	v7 =	vld [tilespmem:s22+$0x6880];
	v54 =	vpop (erf)  }
0x1ca: {  	s20 =	smov.u32 s21;
	s21 =	smov.u32 s23;
	s23 =	rddreg [dreg:$0x1d];
	v51 =	vadd.f32 v58, v55;
	v55 =	vld [tilespmem:s1+$0x100];
	v59 =	vmul.f32 v60, v29;
	v56 =	vpop (erf);
	(erf) = vrcp.f32 v63  }
0x1cb: {  	v60 =	vadd.f32 v49, v40;
	v49 =	vmul.f32 v53, v35;
	v53 =	vld [tilespmem:s23+$0x6880];
	v43 =	vadd.f32 $1.000000000e+00, v54  }
0x1cc: {  	s17 =	rddreg [dreg:$0xf];
	v57 =	vld [tilespmem:s3+$0x100];
	v40 =	vadd.f32 v59, v9;
	v9 =	vmul.f32 v44, v32;
	v61 =	vadd.f32 $1.000000000e+00, v56  }
0x1cd: {  	s19 =	rddreg [dreg:$0x1e];
	v58 =	vadd.f32 v45, v62;
	v59 =	vld [tilespmem:s17+$0x0];
	v50 =	vpop (erf);
	v63 =	vmul.f32 v47, v35;
	(erf) = vrcp.f32 v43  }
0x1ce: {  	v7 =	vmul.f32 v7, v20;
	v44 =	vadd.f32 v9, v6;
	v9 =	vld [tilespmem:s19+$0x0];
	(erf) = vrcp.f32 v61  }
0x1cf: {  	v43 =	vmul.f32 v55, v26;
	v47 =	vadd.f32 v63, v8;
	v8 =	vmul.f32 v48, v32  }
0x1d0: {  	v54 =	vsub.f32 $1.000000000e+00, v54;
	v62 =	vadd.f32 $1.000000000e+00, v50;
	v6 =	vmul.f32 v53, v20  }
0x1d1: {  	s15 =	sadd.s32 $0x4, s15;
	s25 =	rddreg [dreg:$0xe];
	v61 =	vld [tilespmem:s5+$0x180];
	v45 =	vadd.f32 v43, v46;
	v46 =	vadd.f32 v8, v5;
	v5 =	vmul.f32 v57, v26  }
0x1d2: {  	p1 =	slt.u32 s15, $0x3C;
	v48 =	vadd.f32 v49, v4;
	v63 =	vsub.f32 $1.000000000e+00, v52;
	v4 =	vmul.f32 v59, v32;
	v8 =	vld [tilespmem:s25+$0x0]  }
.Ltmp2:
0x1d3: {  	v55 =	vld [tilespmem:s29+$0x0];
	v53 =	vadd.f32 v7, v0;
	v49 =	vadd.f32 v5, v51;
	v5 =	vmul.f32 v9, v35;
	v9 =	vpop (erf);
	(pc) =	sbr.rel @p1 .LBB2_3-.Ltmp2, $4  }
0x1d4: {  	s28 =	rddreg [dreg:$0x8];
	(erf) = vrcp.f32 v62;
	v43 =	vsub.f32 $1.000000000e+00, v56;
	v56 =	vld [tilespmem:s1+$0x180];
	v9 =	vmul.f32 v9, v63  }
0x1d5: {  	s0 =	sadd.s32 s24, s28;
	s30 =	rddreg [dreg:$0xd];
	v59 =	vld [tilespmem:s3+$0x180];
	v51 =	vsub.f32 $1.000000000e+00, v50;
	v52 =	vadd.f32 v5, v58;
	v5 =	vand.u32 $0x80000000, v41  }
0x1d6: {  	s7 =	sadd.s32 $0x40, s7;
	s6 =	sadd.s32 $0x200, s6;
	s31 =	sadd.s32 s12, s0;
	v57 =	vld [tilespmem:s30+$0x0];
	v50 =	vadd.f32 v4, v10;
	v61 =	vmul.f32 v61, v21;
	v4 =	vpop (erf);
	v0 =	vor.u32 v9, v5  }
0x1d7: {  	s4 =	sadd.s32 s8, s0;
	s2 =	sadd.s32 s14, s0;
	s5 =	sadd.s32 s13, s0;
	v58 =	vld [tilespmem:s26+$0x0];
	v41 =	vadd.f32 v6, v60;
	v62 =	vmul.f32 v8, v22;
	v54 =	vmul.f32 v4, v54;
	v60 =	vpop (erf);
	[tilespmem:s31+$0x0] =	vst v0  }
0x1d8: {  	v0 =	vld [tilespmem:s11+$0x0]  }
0x1d9: {  	v4 =	vmul.f32 v55, v24;
	v5 =	vld [tilespmem:s10+$0x0]  }
0x1da: {  	v6 =	vmul.f32 v56, v21  }
0x1db: {  	v8 =	vadd.f32 v62, v44;
	v4 =	vadd.f32 v4, v47;
	v9 =	vmul.f32 v57, v22  }
0x1dc: {  	v6 =	vadd.f32 v6, v45;
	v23 =	vmul.f32 v58, v24  }
0x1dd: {  	v7 =	vld [tilespmem:s9+$0x6880];
	v4 =	vadd.f32 v4, v8;
	v8 =	vadd.f32 v9, v46;
	v0 =	vmul.f32 v0, v22  }
0x1de: {  	v9 =	vmul.f32 v59, v21;
	v5 =	vmul.f32 v5, v24;
	v21 =	vadd.f32 v23, v48  }
0x1df: {  	v6 =	vadd.f32 v53, v6;
	v0 =	vadd.f32 v0, v50  }
0x1e0: {  	v5 =	vadd.f32 v5, v52;
	v8 =	vadd.f32 v21, v8  }
0x1e1: {  	v9 =	vadd.f32 v9, v49  }
0x1e2: {  	v7 =	vmul.f32 v7, v20;
	v0 =	vadd.f32 v5, v0;
	v5 =	vadd.f32 v8, v6  }
0x1e3: {  	v10 =	vadd.f32 v61, v42;
	v9 =	vadd.f32 v41, v9  }
0x1e4: {  	v7 =	vadd.f32 v7, v40;
	v5 =	vadd.f32 v5, v36  }
0x1e5: {  	v0 =	vadd.f32 v0, v9  }
0x1e6: {  	v55 =	vadd.f32 v7, v10;
	v56 =	vand.u32 $0x7FFFFFFF, v5  }
0x1e7: {  	v0 =	vadd.f32 v0, v36;
	v6 =	vmul.f32 $-2.000000000e+00, v56  }
0x1e8: {  	v4 =	vadd.f32 v4, v55  }
0x1e9: {  	v57 =	vand.u32 $0x7FFFFFFF, v0;
	v6 =	vmul.f32 $1.442695020e+00, v6  }
0x1ea: {  	v4 =	vadd.f32 v4, v36;
	v7 =	vmul.f32 $-2.000000000e+00, v57  }
0x1eb: {  	(erf) = vpow2.f32 v6  }
0x1ec: {  	v8 =	vand.u32 $0x7FFFFFFF, v4;
	v7 =	vmul.f32 $1.442695020e+00, v7  }
0x1ed: {  	v8 =	vmul.f32 $-2.000000000e+00, v8  }
0x1ee: {  	(erf) = vpow2.f32 v7  }
0x1ef: {  	v8 =	vmul.f32 $1.442695020e+00, v8;
	_ =	sdelay $0x1  }
0x1f0: {  	(erf) = vpow2.f32 v8;
	_ =	sdelay $0x1  }
0x1f1: {  	v58 =	vpop (erf)  }
0x1f2: {  	v59 =	vpop (erf)  }
0x1f3: {  	v8 =	vadd.f32 $1.000000000e+00, v59;
	_ =	sdelay $0x1  }
0x1f4: {  	v9 =	vpop (erf);
	(erf) = vrcp.f32 v8;
	_ =	sdelay $0x2  }
0x1f5: {  	v10 =	vpop (erf);
	v20 =	vadd.f32 $1.000000000e+00, v9  }
0x1f6: {  	v21 =	vadd.f32 $1.000000000e+00, v10  }
0x1f7: {  	(erf) = vrcp.f32 v20  }
0x1f8: {  	(erf) = vrcp.f32 v21  }
0x1f9: {  	v6 =	vmul.f32 v58, v51  }
0x1fa: {  	v7 =	vsub.f32 $1.000000000e+00, v59  }
0x1fb: {  	v6 =	vor.u32 v6, v39;
	v8 =	vmul.f32 v60, v43;
	v21 =	vpop (erf)  }
0x1fc: {  	[tilespmem:s20+$0x0] =	vst v6;
	v20 =	vor.u32 v54, v37;
	v7 =	vmul.f32 v21, v7  }
0x1fd: {  	v5 =	vand.u32 $0x80000000, v5;
	v9 =	vsub.f32 $1.000000000e+00, v9;
	[tilespmem:s18+$0x0] =	vst v20;
	v8 =	vor.u32 v8, v38  }
0x1fe: {  	[tilespmem:s21+$0x0] =	vst v8;
	v5 =	vor.u32 v7, v5  }
0x1ff: {  	[tilespmem:s5+$0x0] =	vst v5  }
0x200: {  	v10 =	vsub.f32 $1.000000000e+00, v10;
	v20 =	vpop (erf);
	s0 =	sld [smem:$0x7F0]  }
0x201: {  	v8 =	vmul.f32 v20, v9;
	v9 =	vpop (erf)  }
0x202: {  	v0 =	vand.u32 $0x80000000, v0;
	v60 =	vmul.f32 v9, v10  }
0x203: {  	v4 =	vand.u32 $0x80000000, v4;
	v0 =	vor.u32 v8, v0;
	p0 =	seq.s32 s0, $0x1F  }
0x204: {  	[tilespmem:s2+$0x0] =	vst v0;
	v0 =	vor.u32 v60, v4;
	s0 =	sshll.u32 @!p0 s0, $0x8  }
0x205: {  	[tilespmem:s4+$0x0] =	vst v0;
	s0 =	sand.u32 @!p0 $0x3FFFFF00, s0  }
0x206: {  	v0 =	vld @!p0 [tilespmem:s0+$0x2100];
	_ =	sdelay $0x4  }
0x207: {  	v4 =	vshll.u32 @!p0 v0, $0x3  }
0x208: {  	v5 =	vlaneseq.u32 @!p0;
	v0 =	vand.u32 @!p0 $0x7, v0;
	v4 =	vand.u32 @!p0 $0xFFFFFFC0, v4  }
0x209: {  	v6 =	vshrl.u32 @!p0 v5, $0x3;
	v0 =	vor.u32 @!p0 v0, v4;
	v4 =	vand.u32 @!p0 $0x7, v5  }
0x20a: {  	v6 =	vmul.u32 @!p0 $0x8, v6;
	v4 =	vperm.xlane @!p0 v0, v4;
	_ =	sdelay $0x1  }
0x20b: {  	v4 =	vadd.s32 @!p0 v6, v4;
	_ =	sdelay $0x2  }
0x20c: {  	s2 =	rddreg [dreg:$0x0]  }
0x20d: {  	s3 =	sld [smem:$0x7F8];
	vm1 =	vmmov @!p0 $0xffff;
	s1 =	simm.s32 @!p0 $0x6880;
	s0 =	simm.s32 @!p0 $0x0  }
0x20e: {  	v5 =	vor.u32 @!p0 $0x8, v5;
	[tilespmem:s1], [sflag:$0x1] =	stream.indirect_vreg.gather @!p0 [hbm4b:s2+s0], $0x80, v4, vm1, $0xb8;
	[tilespmem:$0x1E980] =	vst v63  }
0x20f: {  	s4 =	sld [smem:$0x7F9];
	v0 =	vperm.xlane @!p0 v0, v5;
	s1 =	simm.s32 @!p0 $0x7080  }
0x210: {  	[tilespmem:s1], [sflag:$0x1] =	stream.indirect_vreg.gather @!p0 [hbm4b:s3+s0], $0x80, v4, vm1, $0xb8;
	[tilespmem:$0x1E980] =	vst v63  }
0x211: {  	s5 =	sld [smem:$0x7FA];
	v0 =	vadd.s32 @!p0 v6, v0;
	s1 =	simm.s32 @!p0 $0x7880  }
0x212: {  	[tilespmem:s1], [sflag:$0x1] =	stream.indirect_vreg.gather @!p0 [hbm4b:s4+s0], $0x80, v4, vm1, $0xb8;
	[tilespmem:$0x1E980] =	vst v63  }
0x213: {  	s1 =	simm.s32 @!p0 $0x8080  }
0x214: {  	[tilespmem:s1], [sflag:$0x1] =	stream.indirect_vreg.gather @!p0 [hbm4b:s5+s0], $0x80, v4, vm1, $0xb8;
	[tilespmem:$0x1E980] =	vst v63  }
0x215: {  	s1 =	simm.s32 @!p0 $0x8880  }
0x216: {  	[tilespmem:s1], [sflag:$0x1] =	stream.indirect_vreg.gather @!p0 [hbm4b:s2+s0], $0x80, v0, vm1, $0xb8;
	[tilespmem:$0x1E980] =	vst v63  }
0x217: {  	s1 =	simm.s32 @!p0 $0x9080  }
0x218: {  	[tilespmem:s1], [sflag:$0x1] =	stream.indirect_vreg.gather @!p0 [hbm4b:s3+s0], $0x80, v0, vm1, $0xb8;
	[tilespmem:$0x1E980] =	vst v63  }
0x219: {  	s18 =	sld [smem:$0x7EF];
	s1 =	simm.s32 @!p0 $0x9880  }
0x21a: {  	[tilespmem:s1], [sflag:$0x1] =	stream.indirect_vreg.gather @!p0 [hbm4b:s4+s0], $0x80, v0, vm1, $0xb8;
	[tilespmem:$0x1E980] =	vst v63  }
0x21b: {  	s1 =	simm.s32 @!p0 $0xA080  }
0x21c: {  	[tilespmem:s1], [sflag:$0x1] =	stream.indirect_vreg.gather @!p0 [hbm4b:s5+s0], $0x80, v0, vm1, $0xb8;
	[tilespmem:$0x1E980] =	vst v63  }
0x21d: {  	s0 =	sor.u32 $0x1, s18  }
0x21e: {  	s19 =	sshll.u32 s0, $0x7  }
0x21f: {  	v0 =	vld [tilespmem:s19+$0x2000];
	_ =	sdelay $0x6  }
0x220: {  	s20 =	simm.s32 $0x0  }
0x221: {  	v0 =	vld.idx.msk [tilespmem:v0+s20+$0x0], $0xffff;
	_ =	sdelay $0x4  }
0x222: {  	(xrf0) =	vadd.scan.msk.s32 $0xffff, v0;
	_ =	sdelay $0x5  }
0x223: {  	v4, _, _ =	vpop (xrf0)  }
0x224: {  	(v2sf) =	vpush v4, $0xF;
	_ =	sdelay $0xa  }
0x225: {  	v4 =	vld [tilespmem:s19+$0x4800];
	_ =	sdelay $0x2  }
0x226: {  	v0 =	vcvt.s32.f32 v0  }
0x227: {  	s21 =	spop (v2sf)  }
0x228: {  	s4 =	simm.f32 $1.000000000e+00;
	v0 =	vmul.f32 v0, v4;
	p1 =	sgt.s32 s21, $0xB  }
0x229: {  	s4 =	simm.s32 @!p1 $0x0  }
0x22a: {  	v0 =	vmul.f32 s4, v0;
	_ =	sdelay $0x1  }
0x22b: {  	[tilespmem:$0x1E910] =	vst v0;
	v0 =	vimm.s32 $0x10;
	_ =	sdelay $0x3  }
0x22c: {  	s22 =	simm.s32 $0x1E900  }
0x22d: {  	v24 =	vld.idx.msk [tilespmem:v0+s22+$0x0], $0xffff;
	v0 =	vimm.s32 $0x11;
	_ =	sdelay $0x4  }
0x22e: {  	v25 =	vld.idx.msk [tilespmem:v0+s22+$0x0], $0xffff;
	v0 =	vimm.s32 $0x12;
	_ =	sdelay $0x4  }
0x22f: {  	v26 =	vld.idx.msk [tilespmem:v0+s22+$0x0], $0xffff;
	v0 =	vimm.s32 $0x13;
	_ =	sdelay $0x4  }
0x230: {  	v20 =	vld.idx.msk [tilespmem:v0+s22+$0x0], $0xffff;
	v0 =	vimm.s32 $0x14;
	_ =	sdelay $0x4  }
0x231: {  	v27 =	vld.idx.msk [tilespmem:v0+s22+$0x0], $0xffff;
	v0 =	vimm.s32 $0x15;
	_ =	sdelay $0x3  }
0x232: {  	v21 =	vld.idx.msk [tilespmem:v11+s22+$0x0], $0xffff  }
0x233: {  	v28 =	vld.idx.msk [tilespmem:v0+s22+$0x0], $0xffff;
	v0 =	vimm.s32 $0x16  }
0x234: {  	v30 =	vld.idx.msk [tilespmem:v12+s22+$0x0], $0xffff  }
0x235: {  	v31 =	vld.idx.msk [tilespmem:v13+s22+$0x0], $0xffff  }
0x236: {  	v32 =	vld.idx.msk [tilespmem:v14+s22+$0x0], $0xffff  }
0x237: {  	v22 =	vld.idx.msk [tilespmem:v15+s22+$0x0], $0xffff  }
0x238: {  	v29 =	vld.idx.msk [tilespmem:v0+s22+$0x0], $0xffff;
	v0 =	vmov s0  }
0x239: {  	v33 =	vld.idx.msk [tilespmem:v16+s22+$0x0], $0xffff  }
0x23a: {  	v34 =	vld.idx.msk [tilespmem:v17+s22+$0x0], $0xffff  }
0x23b: {  	v35 =	vld.idx.msk [tilespmem:v18+s22+$0x0], $0xffff  }
0x23c: {  	s23 =	simm.s32 $0x6800;
	s24 =	simm.s32 $0x2;
	v23 =	vld.idx.msk [tilespmem:v19+s22+$0x0], $0xffff  }
0x23d: {  	v36 =	vld.idx.msk [tilespmem:v0+s23+$0x0], $0xffff;
	_ =	swait.ge [sflag:s24], $0x4000  }
0x23e: {  	s5 =	sand.u32 $0x1C00, s20;
	s26 =	sld [smem:$0x7F2]  }
0x23f: {  	s1 =	sadd.s32 $0xAA00, s5  }
0x240: {  	s8 =	sadd.s32 $0xA980, s5;
	s25 =	sand.u32 $0x380, s19;
	s23 =	sand.u32 $0x40, s20  }
0x241: {  	[sflag:s24] =	ssyncset.done $0x0;
	s22 =	sor.u32 $0x30, s23;
	s0 =	sadd.s32 s25, s26  }
0x242: {  	[sflag:s24] =	ssyncadd.s32 $0xFFFFC000;
	s28 =	sor.u32 s22, s1;
	[dreg:$0x9] =	wrdreg s0  }
0x243: {  	s7 =	sadd.s32 $0xAB80, s5;
	s31 =	sor.u32 s22, s8;
	v0 =	vld [tilespmem:s28+$0x0]  }
0x244: {  	s18 =	sadd.s32 $0xA880, s5;
	s6 =	sor.u32 s22, s7;
	v5 =	vld [tilespmem:s31+$0x0]  }
0x245: {  	s16 =	sadd.s32 $0xA900, s5;
	s9 =	sor.u32 s22, s18;
	v61 =	vld [tilespmem:s6+$0x0]  }
0x246: {  	s15 =	sadd.s32 $0xAA80, s5;
	s10 =	sor.u32 s22, s16;
	v62 =	vld [tilespmem:s9+$0x0]  }
0x247: {  	s17 =	sadd.s32 $0xAB00, s5;
	s11 =	sor.u32 s22, s15;
	v8 =	vld [tilespmem:s10+$0x0]  }
0x248: {  	s14 =	sadd.s32 $0xC880, s5;
	s12 =	sor.u32 s22, s17;
	v9 =	vld [tilespmem:s11+$0x0]  }
0x249: {  	s13 =	sadd.s32 $0xC900, s5;
	s19 =	sor.u32 s22, s14;
	v10 =	vld [tilespmem:s12+$0x0]  }
0x24a: {  	s2 =	sadd.s32 $0xCC00, s5;
	s20 =	sor.u32 s22, s13;
	v37 =	vld [tilespmem:s19+$0x0]  }
0x24b: {  	s26 =	sor.u32 s22, s2;
	s0 =	sadd.s32 $0xAC00, s5;
	v38 =	vld [tilespmem:s20+$0x0]  }
0x24c: {  	s3 =	sadd.s32 $0xCA00, s5;
	s29 =	sor.u32 s22, s0;
	v44 =	vld [tilespmem:s26+$0x0]  }
0x24d: {  	s19 =	sor.u32 s22, s3;
	v4 =	vld [tilespmem:s29+$0x0]  }
0x24e: {  	s28 =	sor.u32 s23, s18;
	v43 =	vld [tilespmem:s19+$0x0]  }
0x24f: {  	s31 =	sor.u32 s23, s15;
	v45 =	vld [tilespmem:s28+$0x0]  }
0x250: {  	s12 =	sadd.s32 $0xCA80, s5;
	s20 =	sor.u32 s23, s17;
	v47 =	vld [tilespmem:s31+$0x0]  }
0x251: {  	s11 =	sadd.s32 $0xCB00, s5;
	s21 =	sor.u32 s22, s12;
	v48 =	vld [tilespmem:s20+$0x0]  }
0x252: {  	s10 =	sadd.s32 $0xC980, s5;
	s24 =	sor.u32 s22, s11;
	v39 =	vld [tilespmem:s21+$0x0]  }
0x253: {  	s9 =	sadd.s32 $0xCB80, s5;
	s6 =	sor.u32 s22, s10;
	v40 =	vld [tilespmem:s24+$0x0]  }
0x254: {  	s25 =	sor.u32 s22, s9;
	v41 =	vld [tilespmem:s6+$0x0]  }
0x255: {  	s29 =	sor.u32 s23, s16;
	v42 =	vld [tilespmem:s25+$0x0]  }
0x256: {  	s26 =	sor.u32 s23, s11;
	v46 =	vld [tilespmem:s29+$0x0]  }
0x257: {  	s21 =	sor.u32 s23, s14;
	v52 =	vld [tilespmem:s26+$0x0]  }
0x258: {  	s24 =	sor.u32 s23, s13;
	v49 =	vld [tilespmem:s21+$0x0]  }
0x259: {  	s25 =	sor.u32 s23, s12;
	s6 =	sor.u32 $0x10, s23;
	v50 =	vld [tilespmem:s24+$0x0]  }
0x25a: {  	v51 =	vld [tilespmem:s25+$0x0];
	s28 =	sor.u32 s6, s18  }
0x25b: {  	s29 =	sor.u32 s6, s16;
	v53 =	vld [tilespmem:s28+$0x0]  }
0x25c: {  	s31 =	sor.u32 s6, s15;
	v54 =	vld [tilespmem:s29+$0x0]  }
0x25d: {  	s21 =	sor.u32 s6, s17;
	v55 =	vld [tilespmem:s31+$0x0]  }
0x25e: {  	s24 =	sor.u32 s6, s14;
	v56 =	vld [tilespmem:s21+$0x0]  }
0x25f: {  	s25 =	sor.u32 s6, s13;
	v57 =	vld [tilespmem:s24+$0x0]  }
0x260: {  	s26 =	sor.u32 s6, s12;
	v58 =	vld [tilespmem:s25+$0x0];
	v6 =	vmul.f32 v61, v29  }
0x261: {  	s28 =	sor.u32 $0x20, s23;
	s29 =	sor.u32 s6, s11;
	v59 =	vld [tilespmem:s26+$0x0];
	v7 =	vmul.f32 v62, v24;
	v8 =	vmul.f32 v8, v25  }
0x262: {  	v9 =	vmul.f32 v9, v27;
	v10 =	vmul.f32 v10, v28;
	s18 =	sor.u32 s28, s18;
	v60 =	vld [tilespmem:s29+$0x0]  }
0x263: {  	v37 =	vmul.f32 v37, v30;
	v38 =	vmul.f32 v38, v31;
	s16 =	sor.u32 s28, s16;
	v61 =	vld [tilespmem:s18+$0x0]  }
0x264: {  	s15 =	sor.u32 s28, s15;
	v62 =	vld [tilespmem:s16+$0x0];
	v39 =	vmul.f32 v39, v33;
	v40 =	vmul.f32 v40, v34  }
0x265: {  	s31 =	sor.u32 s28, s17;
	v7 =	vadd.f32 v8, v7;
	v8 =	vadd.f32 v10, v9;
	v10 =	vld [tilespmem:s15+$0x0]  }
0x266: {  	s14 =	sor.u32 s28, s14;
	v37 =	vadd.f32 v38, v37;
	v38 =	vadd.f32 v40, v39;
	v40 =	vld [tilespmem:s31+$0x0]  }
0x267: {  	v0 =	vmul.f32 v0, v20;
	v5 =	vmul.f32 v5, v26;
	s13 =	sor.u32 s28, s13;
	v6 =	vadd.f32 v6, v8;
	v8 =	vld [tilespmem:s14+$0x0]  }
0x268: {  	s19 =	sor.u32 s23, s10;
	v43 =	vmul.f32 v43, v22;
	v9 =	vmul.f32 v41, v32;
	v39 =	vld [tilespmem:s13+$0x0]  }
0x269: {  	s26 =	sor.u32 s6, s9;
	v41 =	vmul.f32 v45, v24;
	v45 =	vmul.f32 v48, v28;
	v5 =	vadd.f32 v5, v7;
	v7 =	vld [tilespmem:s19+$0x0]  }
0x26a: {  	s12 =	sor.u32 s28, s12;
	v48 =	vmul.f32 v51, v33;
	v9 =	vadd.f32 v9, v37;
	v51 =	vmul.f32 v53, v24;
	v53 =	vld [tilespmem:s26+$0x0]  }
0x26b: {  	s11 =	sor.u32 s28, s11;
	v63 =	vmul.f32 v42, v35;
	v0 =	vadd.f32 v0, v5;
	v5 =	vld [tilespmem:s12+$0x0]  }
0x26c: {  	s17 =	sor.u32 s23, s8;
	v4 =	vmul.f32 v4, v21;
	v54 =	vmul.f32 v54, v25;
	v43 =	vadd.f32 v43, v9;
	v9 =	vld [tilespmem:s11+$0x0]  }
0x26d: {  	s18 =	sor.u32 s23, s7;
	v42 =	vmul.f32 v44, v23;
	v63 =	vadd.f32 v63, v38;
	v38 =	vld [tilespmem:s17+$0x0]  }
0x26e: {  	s25 =	sor.u32 s6, s10;
	s31 =	sor.u32 s28, s10;
	s10 =	sor.u32 s23, s0;
	v4 =	vadd.f32 v4, v6;
	v6 =	vld [tilespmem:s18+$0x0];
	v51 =	vadd.f32 v54, v51;
	v54 =	vmul.f32 v61, v24  }
0x26f: {  	v61 =	vld [tilespmem:s10+$0x0];
	v10 =	vmul.f32 v10, v27;
	v44 =	vadd.f32 v42, v63;
	v42 =	vmul.f32 v46, v25  }
0x270: {  	s21 =	sor.u32 s6, s8;
	v0 =	vadd.f32 v4, v0;
	v46 =	vmul.f32 v49, v30;
	v49 =	vld [tilespmem:s25+$0x0];
	v40 =	vmul.f32 v40, v28  }
0x271: {  	s24 =	sor.u32 s6, s7;
	s7 =	sor.u32 s28, s7;
	v8 =	vmul.f32 v8, v30;
	v39 =	vmul.f32 v39, v31;
	v4 =	vadd.f32 v44, v43;
	v44 =	vld [tilespmem:s21+$0x0]  }
0x272: {  	s14 =	sor.u32 s6, s0;
	v41 =	vadd.f32 v42, v41;
	v42 =	vmul.f32 v55, v27;
	v55 =	vmul.f32 v56, v28;
	v56 =	vld [tilespmem:s7+$0x0]  }
0x273: {  	s16 =	sor.u32 s6, s2;
	v10 =	vadd.f32 v40, v10;
	v40 =	vld [tilespmem:s14+$0x0]  }
0x274: {  	s20 =	sor.u32 s23, s9;
	v43 =	vmul.f32 v47, v27;
	v47 =	vmul.f32 v50, v31;
	v8 =	vadd.f32 v39, v8;
	v39 =	vld [tilespmem:s16+$0x0]  }
0x275: {  	v50 =	vmul.f32 v52, v34;
	v5 =	vmul.f32 v5, v33;
	v0 =	vadd.f32 v4, v0;
	v4 =	vld [tilespmem:s20+$0x0]  }
0x276: {  	s29 =	sor.u32 s28, s8;
	s8 =	sor.u32 s28, s9;
	v9 =	vmul.f32 v9, v34;
	v43 =	vadd.f32 v45, v43;
	v45 =	vmul.f32 v57, v30;
	v57 =	vld [tilespmem:s31+$0x0]  }
0x277: {  	s11 =	sor.u32 s23, s3;
	v46 =	vadd.f32 v47, v46;
	v47 =	vmul.f32 v58, v31;
	v58 =	vmul.f32 v59, v33;
	v59 =	vld [tilespmem:s8+$0x0]  }
0x278: {  	v36 =	vmul.f32 s4, v36;
	s15 =	sor.u32 s6, s3;
	v42 =	vadd.f32 v55, v42;
	v55 =	vld [tilespmem:s11+$0x0]  }
0x279: {  	v38 =	vmul.f32 v38, v26;
	v48 =	vadd.f32 v50, v48;
	v5 =	vadd.f32 v9, v5;
	v9 =	vld [tilespmem:s15+$0x0]  }
0x27a: {  	s12 =	sor.u32 s23, s2;
	v50 =	vmul.f32 v60, v34;
	v60 =	vmul.f32 v62, v25;
	v37 =	vadd.f32 v0, v36;
	v0 =	vld [tilespmem:s24+$0x0]  }
0x27b: {  	s13 =	sor.u32 s6, s1;
	v6 =	vmul.f32 v6, v29;
	v38 =	vadd.f32 v38, v41;
	v45 =	vadd.f32 v47, v45;
	v47 =	vld [tilespmem:s12+$0x0]  }
0x27c: {  	s9 =	sor.u32 s23, s1;
	s1 =	sor.u32 s28, s1;
	v7 =	vmul.f32 v7, v32;
	v50 =	vadd.f32 v50, v58;
	v58 =	vld [tilespmem:s13+$0x0];
	v54 =	vadd.f32 v60, v54  }
0x27d: {  	s0 =	sor.u32 s28, s0;
	s17 =	simm.s32 $0x200;
	s18 =	simm.s32 $0x40;
	v6 =	vadd.f32 v6, v43;
	v43 =	vld [tilespmem:s1+$0x0];
	v60 =	vmul.f32 v49, v32;
	v63 =	vand.u32 $0x7FFFFFFF, v37  }
0x27e: {  	s7 =	sand.u32 $0x40, s18;
	v7 =	vadd.f32 v7, v46;
	s12 =	sand.u32 $0x1C00, s17;
	v46 =	vld [tilespmem:s0+$0x0];
	v62 =	vmul.f32 v44, v26;
	v52 =	vmul.f32 $-2.000000000e+00, v63  }
0x27f: {  	s19 =	sor.u32 s28, s2;
	s8 =	sor.u32 $0x30, s7;
	s15 =	sadd.s32 $0xAA00, s12;
	v44 =	vadd.f32 v60, v45;
	v60 =	vmul.f32 v56, v29;
	v40 =	vmul.f32 v40, v21;
	v63 =	vld [tilespmem:s29+$0x0]  }
0x280: {  	s20 =	sor.u32 s8, s15;
	v39 =	vmul.f32 v39, v23;
	v41 =	vadd.f32 v62, v51;
	v51 =	vld [tilespmem:s19+$0x0];
	v52 =	vmul.f32 $1.442695020e+00, v52  }
0x281: {  	s0 =	sadd.s32 $0xA980, s12;
	v4 =	vmul.f32 v4, v35;
	v62 =	vmul.f32 v53, v35;
	v56 =	vld [tilespmem:s20+$0x0]  }
0x282: {  	s24 =	sor.u32 s8, s0;
	v10 =	vadd.f32 v60, v10;
	v0 =	vmul.f32 v0, v29;
	(erf) = vpow2.f32 v52;
	v52 =	vld [tilespmem:s9+$0x0]  }
0x283: {  	s3 =	sor.u32 s28, s3;
	s13 =	sadd.s32 $0xA880, s12;
	v53 =	vld [tilespmem:s24+$0x0];
	v9 =	vmul.f32 v9, v22;
	v4 =	vadd.f32 v4, v48;
	v47 =	vmul.f32 v47, v23  }
0x284: {  	s1 =	sadd.s32 $0xAB80, s12;
	s29 =	sor.u32 s8, s13;
	v48 =	vld [tilespmem:s3+$0x0];
	v0 =	vadd.f32 v0, v42;
	v42 =	vadd.f32 v62, v50;
	v62 =	vmul.f32 v57, v32  }
0x285: {  	s18 =	sadd.s32 $0xC880, s12;
	s26 =	sor.u32 s8, s1;
	v50 =	vld [tilespmem:s29+$0x0];
	v4 =	vadd.f32 v47, v4;
	v45 =	vmul.f32 v63, v26;
	v63 =	vmul.f32 v59, v35  }
0x286: {  	s17 =	sadd.s32 $0xAB00, s12;
	s9 =	sor.u32 s8, s18;
	v59 =	vmul.f32 v55, v22;
	v55 =	vld [tilespmem:s26+$0x0];
	v8 =	vadd.f32 v62, v8;
	v62 =	vmul.f32 v61, v21  }
0x287: {  	s4 =	sor.u32 s8, s17;
	v61 =	vadd.f32 v9, v44;
	v9 =	vmul.f32 v43, v20;
	v43 =	vld [tilespmem:s9+$0x0];
	s9 =	sadd.s32 $0xC980, s12;
	v49 =	vmul.f32 v52, v20  }
0x288: {  	s25 =	sadd.s32 $0xAC00, s12;
	v0 =	vadd.f32 v40, v0;
	v40 =	vld [tilespmem:s4+$0x0];
	v39 =	vadd.f32 v39, v42;
	s26 =	sor.u32 s8, s9  }
0x289: {  	s16 =	sadd.s32 $0xAA80, s12;
	s21 =	sor.u32 s8, s25;
	v6 =	vadd.f32 v62, v6;
	v47 =	vld [tilespmem:s26+$0x0];
	v38 =	vadd.f32 v49, v38  }
0x28a: {  	s14 =	sadd.s32 $0xA900, s12;
	s3 =	sor.u32 s8, s16;
	v45 =	vadd.f32 v45, v54;
	v5 =	vadd.f32 v63, v5;
	v52 =	vld [tilespmem:s21+$0x0]  }
0x28b: {  	s2 =	sadd.s32 $0xCA00, s12;
	s31 =	sor.u32 s8, s14;
	v7 =	vadd.f32 v59, v7;
	v57 =	vmul.f32 v48, v22;
	v60 =	vpop (erf);
	v6 =	vadd.f32 v6, v38;
	v38 =	vld [tilespmem:s3+$0x0]  }
0x28c: {  	s20 =	sadd.s32 $0xCA80, s12;
	v63 =	vadd.f32 $1.000000000e+00, v60;
	v54 =	vsub.f32 $1.000000000e+00, v60;
	v60 =	vmul.f32 v58, v20;
	v58 =	vld [tilespmem:s31+$0x0];
	s31 =	sor.u32 s8, s2  }
0x28d: {  	s11 =	sor.u32 s8, s20;
	v59 =	vmul.f32 v51, v23;
	v62 =	vmul.f32 v46, v21;
	s21 =	sadd.s32 $0xCB00, s12;
	v8 =	vadd.f32 v57, v8;
	v57 =	vld [tilespmem:s31+$0x0]  }
0x28e: {  	v4 =	vadd.f32 v4, v7;
	s24 =	sor.u32 s8, s21;
	(erf) = vrcp.f32 v63;
	v63 =	vadd.f32 v9, v45;
	v9 =	vld [tilespmem:s11+$0x0]  }
0x28f: {  	s19 =	sadd.s32 $0xC900, s12;
	v42 =	vmul.f32 v56, v20;
	v5 =	vadd.f32 v59, v5;
	s31 =	sor.u32 s7, s16;
	v41 =	vadd.f32 v60, v41;
	v45 =	vld [tilespmem:s24+$0x0]  }
0x290: {  	s10 =	sor.u32 s8, s19;
	v7 =	vadd.f32 v39, v61;
	v10 =	vadd.f32 v62, v10;
	v49 =	vmul.f32 v55, v29;
	s3 =	sadd.s32 $0xCC00, s12;
	v55 =	vld [tilespmem:s31+$0x0]  }
0x291: {  	v62 =	vmul.f32 v50, v24;
	v5 =	vadd.f32 v5, v8;
	s24 =	sor.u32 s8, s3;
	v0 =	vadd.f32 v0, v41;
	v41 =	vld [tilespmem:s10+$0x0];
	s10 =	sadd.s32 $0xCB80, s12  }
0x292: {  	v46 =	vmul.f32 v52, v21;
	v4 =	vadd.f32 v4, v6;
	v60 =	vmul.f32 v53, v26;
	v59 =	vld [tilespmem:s24+$0x0];
	s29 =	sor.u32 s8, s10  }
0x293: {  	s26 =	sor.u32 s7, s13;
	v38 =	vmul.f32 v38, v27;
	v6 =	vadd.f32 v10, v63;
	v10 =	vmul.f32 v43, v30;
	v61 =	vld [tilespmem:s29+$0x0]  }
0x294: {  	v4 =	vadd.f32 v4, v36;
	v43 =	vld [tilespmem:s26+$0x0];
	v56 =	vmul.f32 v58, v25;
	v58 =	vmul.f32 v40, v28;
	s29 =	sor.u32 s7, s14  }
0x295: {  	s24 =	sor.u32 s7, s17;
	v5 =	vadd.f32 v5, v6;
	v63 =	vmul.f32 v9, v33;
	v9 =	vmul.f32 v45, v34;
	v45 =	vld [tilespmem:s29+$0x0]  }
0x296: {  	s26 =	sor.u32 s7, s18;
	v0 =	vadd.f32 v7, v0;
	v44 =	vadd.f32 v56, v62;
	v56 =	vld [tilespmem:s24+$0x0];
	v41 =	vmul.f32 v41, v31  }
0x297: {  	v53 =	vmul.f32 v47, v32;
	s11 =	sor.u32 $0x10, s7;
	v38 =	vadd.f32 v58, v38;
	s29 =	sor.u32 s7, s19;
	v62 =	vld [tilespmem:s26+$0x0];
	v5 =	vadd.f32 v5, v36  }
0x298: {  	v7 =	vadd.f32 v9, v63;
	v63 =	vld [tilespmem:s29+$0x0];
	s29 =	sor.u32 s11, s16;
	v10 =	vadd.f32 v41, v10;
	v9 =	vmul.f32 v61, v35  }
0x299: {  	s24 =	sor.u32 s7, s20;
	v60 =	vadd.f32 v60, v44;
	v38 =	vadd.f32 v49, v38;
	v6 =	vld [tilespmem:s29+$0x0];
	v61 =	vmul.f32 v57, v22  }
0x29a: {  	s31 =	sor.u32 s7, s21;
	v57 =	vld [tilespmem:s24+$0x0];
	v10 =	vadd.f32 v53, v10;
	v7 =	vadd.f32 v9, v7;
	v9 =	vmul.f32 v59, v23  }
0x29b: {  	s26 =	sor.u32 s11, s14;
	v41 =	vadd.f32 v42, v60;
	v38 =	vadd.f32 v46, v38;
	v42 =	vld [tilespmem:s31+$0x0]  }
0x29c: {  	s24 =	sor.u32 s11, s13;
	v46 =	vld [tilespmem:s26+$0x0];
	v10 =	vadd.f32 v61, v10;
	v7 =	vadd.f32 v9, v7  }
0x29d: {  	v47 =	vmul.f32 v55, v27;
	v0 =	vadd.f32 v0, v36;
	v43 =	vmul.f32 v43, v24;
	s31 =	sor.u32 s11, s17;
	v8 =	vld [tilespmem:s24+$0x0]  }
0x29e: {  	s4 =	sor.u32 $0x20, s7;
	s26 =	sor.u32 s11, s19;
	v60 =	vand.u32 $0x7FFFFFFF, v5;
	v44 =	vld [tilespmem:s31+$0x0];
	v38 =	vadd.f32 v38, v41;
	v7 =	vadd.f32 v7, v10  }
0x29f: {  	s13 =	sor.u32 s4, s13;
	v45 =	vmul.f32 v45, v25;
	v49 =	vld [tilespmem:s26+$0x0];
	v48 =	vmul.f32 v62, v30;
	v59 =	vand.u32 $0x7FFFFFFF, v0  }
0x2a0: {  	v52 =	vmul.f32 $-2.000000000e+00, v60;
	v55 =	vld [tilespmem:s13+$0x0];
	s26 =	sor.u32 s4, s16;
	s16 =	sor.u32 s4, s20;
	v51 =	vmul.f32 $-2.000000000e+00, v59;
	v7 =	vadd.f32 v7, v38  }
0x2a1: {  	v58 =	vpop (erf);
	s31 =	sor.u32 s11, s21;
	v39 =	vmul.f32 v63, v31;
	v9 =	vand.u32 $0x7FFFFFFF, v4;
	v60 =	vmul.f32 v46, v25;
	v46 =	vld [tilespmem:s16+$0x0]  }
0x2a2: {  	s24 =	sor.u32 s11, s18;
	v9 =	vmul.f32 $-2.000000000e+00, v9;
	v10 =	vmul.f32 v58, v54;
	v54 =	vld [tilespmem:s31+$0x0];
	v41 =	vadd.f32 v7, v36  }
0x2a3: {  	v37 =	vand.u32 $0x80000000, v37;
	v40 =	vmul.f32 v57, v33;
	v8 =	vmul.f32 v8, v24;
	v38 =	vld [tilespmem:s24+$0x0]  }
0x2a4: {  	s24 =	sor.u32 s4, s14;
	v50 =	vor.u32 v10, v37;
	v10 =	vmul.f32 $1.442695020e+00, v51;
	v51 =	vld [tilespmem:s26+$0x0];
	v62 =	vand.u32 $0x7FFFFFFF, v41  }
0x2a5: {  	v9 =	vmul.f32 $1.442695020e+00, v9;
	s14 =	sor.u32 s4, s19;
	s19 =	sor.u32 s7, s1;
	v57 =	vld [tilespmem:s24+$0x0];
	v63 =	vmul.f32 $-2.000000000e+00, v62  }
0x2a6: {  	s29 =	sor.u32 s11, s20;
	v59 =	vmul.f32 $1.442695020e+00, v52;
	v61 =	vmul.f32 v56, v28;
	v8 =	vadd.f32 v60, v8;
	v60 =	vld [tilespmem:s19+$0x0]  }
0x2a7: {  	s31 =	sor.u32 s4, s18;
	v37 =	vand.u32 $0x80000000, v4;
	(erf) = vpow2.f32 v9;
	v7 =	vld [tilespmem:s29+$0x0];
	v4 =	vmul.f32 $1.442695020e+00, v63  }
0x2a8: {  	v6 =	vmul.f32 v6, v27;
	s29 =	sor.u32 s4, s17;
	(erf) = vpow2.f32 v10;
	v10 =	vld [tilespmem:s31+$0x0]  }
0x2a9: {  	v43 =	vadd.f32 v45, v43;
	v42 =	vmul.f32 v42, v34;
	s17 =	sor.u32 s4, s21;
	v9 =	vld [tilespmem:s29+$0x0];
	(erf) = vpow2.f32 v4  }
0x2aa: {  	v45 =	vadd.f32 v61, v47;
	v61 =	vmul.f32 v44, v28;
	v44 =	vld [tilespmem:s17+$0x0];
	v56 =	vmul.f32 v54, v34  }
0x2ab: {  	s20 =	sor.u32 s7, s9;
	v48 =	vadd.f32 v39, v48;
	v38 =	vmul.f32 v38, v30;
	v62 =	vmul.f32 v49, v31;
	v4 =	vld [tilespmem:s14+$0x0]  }
0x2ac: {  	v6 =	vadd.f32 v61, v6;
	s21 =	sor.u32 s7, s10;
	v61 =	vmul.f32 v51, v27;
	v51 =	vld [tilespmem:s20+$0x0];
	v7 =	vmul.f32 v7, v33  }
0x2ad: {  	s18 =	sor.u32 s7, s0;
	v52 =	vadd.f32 v62, v38;
	v38 =	vand.u32 $0x80000000, v0;
	v0 =	vld [tilespmem:s21+$0x0];
	(erf) = vpow2.f32 v59  }
0x2ae: {  	v58 =	vmul.f32 v55, v24;
	v40 =	vadd.f32 v42, v40;
	s26 =	sor.u32 s11, s1;
	v63 =	vld [tilespmem:s18+$0x0];
	v9 =	vmul.f32 v9, v28  }
0x2af: {  	v46 =	vmul.f32 v46, v33;
	v49 =	vmul.f32 v60, v29;
	v7 =	vadd.f32 v56, v7;
	v56 =	vld [tilespmem:s26+$0x0]  }
0x2b0: {  	v10 =	vmul.f32 v10, v30;
	v54 =	vpop (erf);
	v9 =	vadd.f32 v9, v61;
	v4 =	vmul.f32 v4, v31  }
0x2b1: {  	s24 =	sor.u32 s11, s0;
	v59 =	vmul.f32 v57, v25;
	v61 =	vadd.f32 v49, v45;
	v62 =	vadd.f32 $1.000000000e+00, v54;
	v42 =	vpop (erf)  }
0x2b2: {  	s1 =	sor.u32 s4, s1;
	v55 =	vld [tilespmem:s24+$0x0];
	v0 =	vmul.f32 v0, v35;
	v4 =	vadd.f32 v4, v10;
	v10 =	vmul.f32 v44, v34;
	v44 =	vpop (erf)  }
0x2b3: {  	s16 =	sor.u32 s4, s10;
	v60 =	vmul.f32 v51, v32;
	v51 =	vld [tilespmem:s1+$0x0];
	v47 =	vmul.f32 v63, v26;
	v63 =	vadd.f32 $1.000000000e+00, v44  }
0x2b4: {  	s31 =	sor.u32 s11, s10;
	v49 =	vadd.f32 v0, v40;
	v0 =	vmul.f32 v56, v29;
	v56 =	vld [tilespmem:s16+$0x0];
	(erf) = vrcp.f32 v62  }
0x2b5: {  	s29 =	sor.u32 s11, s9;
	v39 =	vadd.f32 $1.000000000e+00, v42;
	v10 =	vadd.f32 v10, v46;
	v46 =	vld [tilespmem:s31+$0x0];
	(erf) = vrcp.f32 v63  }
0x2b6: {  	s0 =	sor.u32 s4, s0;
	v53 =	vadd.f32 v59, v58;
	v58 =	vld [tilespmem:s29+$0x0];
	v59 =	vadd.f32 v47, v43;
	v43 =	vpop (erf)  }
0x2b7: {  	s14 =	sor.u32 s4, s9;
	v47 =	vld [tilespmem:s0+$0x0];
	v57 =	vadd.f32 $1.000000000e+00, v43;
	(erf) = vrcp.f32 v39  }
0x2b8: {  	v39 =	vand.u32 $0x80000000, v5;
	v5 =	vsub.f32 $1.000000000e+00, v54;
	v54 =	vmul.f32 v55, v26;
	v55 =	vld [tilespmem:s14+$0x0]  }
0x2b9: {  	s17 =	sor.u32 s7, s15;
	v48 =	vadd.f32 v60, v48;
	v60 =	vmul.f32 v56, v35;
	(erf) = vrcp.f32 v57  }
0x2ba: {  	s13 =	rddreg [dreg:$0x9];
	s18 =	sor.u32 s7, s25;
	v40 =	vsub.f32 $1.000000000e+00, v43;
	v63 =	vsub.f32 $1.000000000e+00, v42;
	v57 =	vld [tilespmem:s17+$0x0];
	v62 =	vmul.f32 v46, v35  }
0x2bb: {  	s19 =	sor.u32 s7, s2;
	s24 =	sor.u32 s11, s25;
	s20 =	sor.u32 s7, s3;
	v46 =	vadd.f32 v0, v6;
	v0 =	vld [tilespmem:s18+$0x0];
	v45 =	vadd.f32 v54, v8;
	v8 =	vmul.f32 v58, v32  }
0x2bc: {  	s10 =	sor.u32 s4, s25;
	s21 =	rddreg [dreg:$0x9];
	s26 =	sor.u32 s11, s2;
	v54 =	vmul.f32 v47, v26;
	v43 =	vadd.f32 v62, v7;
	v7 =	vmul.f32 v51, v29;
	v62 =	vld [tilespmem:s20+$0x0]  }
0x2bd: {  	s9 =	sor.u32 s4, s2;
	s2 =	sor.u32 s4, s3;
	s0 =	sadd.s32 s5, s13;
	v58 =	vsub.f32 $1.000000000e+00, v44;
	v47 =	vadd.f32 v8, v52;
	v8 =	vld [tilespmem:s19+$0x0];
	v51 =	vpop (erf);
	v6 =	vmul.f32 v55, v32  }
0x2be: {  	s1 =	sadd.s32 s12, s21;
	s30 =	sadd.s32 s23, s0;
	s23 =	sor.u32 s11, s15;
	v56 =	vld [tilespmem:s26+$0x0];
	v42 =	vadd.f32 v54, v53;
	v44 =	vadd.f32 v7, v9;
	v52 =	vmul.f32 v51, v5;
	v9 =	vpop (erf)  }
0x2bf: {  	s29 =	sor.u32 s4, s15;
	s5 =	sadd.s32 s7, s1;
	s22 =	sadd.s32 s22, s0;
	v54 =	vld [tilespmem:s23+$0x0];
	v5 =	vmul.f32 v57, v20;
	v51 =	vadd.f32 v6, v4;
	v4 =	vmul.f32 v9, v58  }
0x2c0: {  	s16 =	sadd.s32 s28, s0;
	s28 =	sor.u32 s11, s3;
	s3 =	sadd.s32 s4, s1;
	v53 =	vadd.f32 v60, v10;
	v55 =	vld [tilespmem:s24+$0x0];
	v0 =	vmul.f32 v0, v21;
	v6 =	vand.u32 $0x80000000, v41  }
0x2c1: {  	[tilespmem:s22+$0x0] =	vst v50;
	s31 =	sadd.s32 s8, s1;
	s18 =	sadd.s32 s6, s0;
	s17 =	simm.s32 $0x4;
	v57 =	vld [tilespmem:s28+$0x0];
	v59 =	vadd.f32 v5, v59;
	v62 =	vmul.f32 v62, v23;
	v41 =	vpop (erf);
	v4 =	vor.u32 v4, v6  }
0x2c2: {  	s6 =	sadd.s32 s11, s1;
	s0 =	simm.s32 $0x400;
	s1 =	simm.s32 $0x80;
	v61 =	vadd.f32 v0, v61;
	v60 =	vmul.f32 v8, v22;
	v58 =	vld [tilespmem:s29+$0x0];
	v50 =	vpop (erf);
	v41 =	vmul.f32 v41, v63;
	[tilespmem:s31+$0x0] =	vst v4  }
.LBB2_5:
0x2c3: {  	[dreg:$0x19] =	wrdreg s5  }
0x2c4: {  	[dreg:$0x17] =	wrdreg s3  }
0x2c5: {  	[dreg:$0x15] =	wrdreg s6  }
0x2c6: {  	[dreg:$0xb] =	wrdreg s1;
	s8 =	sand.u32 $0x40, s1;
	s12 =	sand.u32 $0x1C00, s0  }
0x2c7: {  	[dreg:$0xa] =	wrdreg s0;
	s14 =	sadd.s32 $0xAA00, s12;
	s23 =	sor.u32 $0x10, s8  }
0x2c8: {  	v10 =	vld [tilespmem:s9+$0x0];
	s22 =	sor.u32 $0x30, s8;
	s9 =	sadd.s32 $0xAC00, s12;
	s28 =	sor.u32 $0x20, s8  }
0x2c9: {  	v5 =	vld [tilespmem:s10+$0x0];
	v37 =	vor.u32 v52, v37;
	s6 =	sadd.s32 $0xA980, s12;
	s4 =	sadd.s32 $0xAB80, s12;
	s3 =	sadd.s32 $0xA880, s12  }
0x2ca: {  	v8 =	vadd.f32 v61, v59;
	v59 =	vld [tilespmem:s2+$0x0];
	[tilespmem:s30+$0x0] =	vst v37;
	s2 =	sadd.s32 $0xA900, s12;
	s13 =	sadd.s32 $0xAA80, s12;
	s30 =	sadd.s32 $0xCA00, s12  }
0x2cb: {  	v0 =	vadd.f32 v60, v48;
	v7 =	vadd.f32 v62, v49;
	s19 =	sor.u32 s22, s14;
	s1 =	sor.u32 s8, s14;
	s20 =	sor.u32 s22, s9  }
0x2cc: {  	v6 =	vmul.f32 v50, v40;
	v38 =	vor.u32 v41, v38;
	s21 =	sor.u32 s8, s6;
	s24 =	sor.u32 s22, s6;
	[dreg:$0xc] =	wrdreg s1  }
0x2cd: {  	s25 =	sor.u32 s8, s4;
	s26 =	sor.u32 s22, s4;
	v0 =	vadd.f32 v7, v0;
	[dreg:$0x11] =	wrdreg s21;
	v4 =	vmul.f32 v54, v20;
	v9 =	vmul.f32 v55, v21  }
0x2ce: {  	s29 =	sor.u32 s8, s3;
	s31 =	sor.u32 s22, s3;
	v6 =	vor.u32 v6, v39;
	[dreg:$0x13] =	wrdreg s25;
	v56 =	vmul.f32 v56, v22;
	v5 =	vmul.f32 v5, v21  }
0x2cf: {  	s5 =	sor.u32 s22, s2;
	s7 =	sor.u32 s8, s13;
	v60 =	vld [tilespmem:s19+$0x0];
	[smem:$0x7D5] =	sst s29;
	v0 =	vadd.f32 v0, v8;
	v61 =	vadd.f32 v9, v46;
	v9 =	vmul.f32 v57, v23  }
0x2d0: {  	s10 =	sor.u32 s22, s13;
	v62 =	vld [tilespmem:s20+$0x0];
	s1 =	sor.u32 s8, s2;
	[smem:$0x7D7] =	sst s7;
	v10 =	vmul.f32 v10, v22;
	v4 =	vadd.f32 v4, v45;
	v63 =	vadd.f32 v56, v47  }
0x2d1: {  	v49 =	vld [tilespmem:s24+$0x0];
	s24 =	sadd.s32 $0xAB00, s12;
	s29 =	sadd.s32 $0xC880, s12;
	s21 =	sadd.s32 $0xC900, s12;
	v47 =	vmul.f32 v58, v20;
	v5 =	vadd.f32 v5, v44;
	v9 =	vadd.f32 v9, v43  }
0x2d2: {  	[tilespmem:s18+$0x0] =	vst v38;
	v52 =	vld [tilespmem:s31+$0x0];
	s7 =	sadd.s32 $0xCB00, s12;
	[smem:$0x7D6] =	sst s1;
	s11 =	sor.u32 s8, s24;
	v54 =	vmul.f32 v59, v23;
	v0 =	vadd.f32 v0, v36;
	v10 =	vadd.f32 v10, v51  }
0x2d3: {  	[tilespmem:s16+$0x0] =	vst v6;
	v55 =	vld [tilespmem:s5+$0x0];
	s15 =	sor.u32 s22, s24;
	s16 =	sor.u32 s8, s29;
	s18 =	sor.u32 s22, s29;
	v4 =	vadd.f32 v61, v4;
	v9 =	vadd.f32 v9, v63  }
0x2d4: {  	s1 =	sadd.s32 $0xCA80, s12;
	s19 =	sor.u32 s22, s21;
	[smem:$0x7D9] =	sst s16;
	v56 =	vld [tilespmem:s10+$0x0];
	v8 =	vadd.f32 v47, v42;
	v57 =	vadd.f32 v54, v53  }
0x2d5: {  	s16 =	sadd.s32 $0x4, s17;
	s20 =	sor.u32 s22, s1;
	s17 =	sadd.s32 $0xC980, s12;
	v58 =	vld [tilespmem:s15+$0x0];
	v37 =	vand.u32 $0x80000000, v0;
	v0 =	vand.u32 $0x7FFFFFFF, v0;
	v4 =	vadd.f32 v9, v4  }
0x2d6: {  	s31 =	sor.u32 s23, s29;
	[smem:$0x7D8] =	sst s11;
	v59 =	vld [tilespmem:s20+$0x0];
	s11 =	sor.u32 s22, s17;
	v5 =	vadd.f32 v5, v8;
	v0 =	vmul.f32 $-2.000000000e+00, v0;
	v9 =	vadd.f32 v57, v10  }
0x2d7: {  	s25 =	sor.u32 s22, s7;
	[smem:$0x7DA] =	sst s31;
	s31 =	sor.u32 s23, s21;
	v61 =	vld [tilespmem:s11+$0x0];
	v4 =	vadd.f32 v4, v36  }
0x2d8: {  	s15 =	sor.u32 s8, s1;
	s10 =	sadd.s32 $0xCB80, s12;
	[smem:$0x7DB] =	sst s31;
	v8 =	vld [tilespmem:s18+$0x0];
	v40 =	vmul.f32 $1.442695020e+00, v0;
	v0 =	vadd.f32 v9, v5  }
0x2d9: {  	s20 =	sor.u32 s22, s30;
	s31 =	sld [smem:$0x7D5];
	v9 =	vmul.f32 v62, v21;
	v62 =	vmul.f32 v52, v24;
	v52 =	vld [tilespmem:s15+$0x0];
	s15 =	sor.u32 s28, s10;
	v45 =	vand.u32 $0x7FFFFFFF, v4  }
0x2da: {  	[smem:$0x7E7] =	sst s15;
	v0 =	vadd.f32 v0, v36;
	v38 =	vand.u32 $0x80000000, v4;
	v4 =	vmul.f32 v56, v27;
	v56 =	vld [tilespmem:s20+$0x0];
	s20 =	sor.u32 s23, s24;
	s24 =	sor.u32 s28, s24  }
0x2db: {  	s5 =	sadd.s32 $0xCC00, s12;
	v10 =	vld [tilespmem:s19+$0x0];
	[smem:$0x7DF] =	sst s24;
	s24 =	sor.u32 s8, s10  }
0x2dc: {  	s0 =	sor.u32 s22, s5;
	v57 =	vand.u32 $0x7FFFFFFF, v0;
	v39 =	vand.u32 $0x80000000, v0;
	v0 =	vld [tilespmem:s31+$0x0];
	s31 =	sor.u32 s23, s1;
	[smem:$0x7E1] =	sst s24  }
0x2dd: {  	s19 =	sor.u32 s22, s10;
	v5 =	vmul.f32 v60, v20;
	v60 =	vld [tilespmem:s25+$0x0];
	s1 =	sor.u32 s28, s1;
	[smem:$0x7DC] =	sst s31  }
0x2de: {  	s11 =	sor.u32 s23, s3;
	v63 =	vld [tilespmem:s19+$0x0];
	s31 =	sor.u32 s23, s7;
	[smem:$0x7E0] =	sst s1  }
0x2df: {  	v41 =	vmul.f32 v49, v26;
	s18 =	sor.u32 s8, s7;
	s24 =	sor.u32 s28, s7;
	[smem:$0x7DD] =	sst s31  }
0x2e0: {  	v50 =	vld [tilespmem:s26+$0x0];
	v42 =	vmul.f32 v55, v25;
	v6 =	vmul.f32 v58, v28;
	s7 =	sor.u32 s23, s17;
	s31 =	sor.u32 s28, s3;
	s3 =	sld [smem:$0x7D6]  }
0x2e1: {  	s26 =	sor.u32 s8, s21;
	v58 =	vld [tilespmem:s0+$0x0];
	v43 =	vmul.f32 v59, v33;
	v8 =	vmul.f32 v8, v30;
	[smem:$0x7E3] =	sst s7  }
0x2e2: {  	v51 =	vld [tilespmem:s26+$0x0];
	v10 =	vmul.f32 v10, v31;
	v44 =	vmul.f32 v60, v34;
	[smem:$0x7DE] =	sst s31  }
0x2e3: {  	v54 =	vld [tilespmem:s11+$0x0];
	s25 =	sor.u32 s23, s2;
	v42 =	vadd.f32 v42, v62;
	v62 =	vmul.f32 v63, v35;
	v60 =	vmul.f32 v61, v32;
	s7 =	sor.u32 s28, s4;
	s31 =	sld [smem:$0x7D7]  }
0x2e4: {  	v8 =	vadd.f32 v10, v8;
	v10 =	vadd.f32 v44, v43;
	v48 =	vmul.f32 v56, v22;
	[smem:$0x7E6] =	sst s7;
	v56 =	vld [tilespmem:s25+$0x0]  }
0x2e5: {  	v7 =	vmul.f32 v50, v29;
	s19 =	sor.u32 s23, s13;
	v4 =	vadd.f32 v6, v4;
	v41 =	vadd.f32 v41, v42;
	s25 =	rddreg [dreg:$0x15];
	v59 =	vld [tilespmem:s3+$0x0]  }
0x2e6: {  	p1 =	slt.u32 s16, $0x3C;
	s26 =	sor.u32 s8, s9;
	v6 =	vadd.f32 v60, v8;
	s3 =	sld [smem:$0x7D8];
	v8 =	vadd.f32 v62, v10;
	v10 =	vmul.f32 v58, v23;
	v58 =	vld [tilespmem:s19+$0x0]  }
0x2e7: {  	s11 =	sor.u32 s23, s9;
	s0 =	sor.u32 s28, s2;
	v4 =	vadd.f32 v7, v4;
	s19 =	rddreg [dreg:$0x19];
	v61 =	vld [tilespmem:s31+$0x0]  }
0x2e8: {  	s1 =	sor.u32 s8, s17;
	v5 =	vadd.f32 v5, v41;
	s31 =	sld [smem:$0x7D9];
	v53 =	vadd.f32 v10, v8;
	v10 =	vld [tilespmem:s18+$0x0];
	s18 =	sor.u32 s8, s5  }
0x2e9: {  	s7 =	sor.u32 s23, s30;
	v4 =	vadd.f32 v9, v4;
	v6 =	vadd.f32 v48, v6;
	v63 =	vld [tilespmem:s3+$0x0];
	s3 =	sor.u32 s23, s4;
	[dreg:$0x1f] =	wrdreg s18  }
0x2ea: {  	v45 =	vmul.f32 $-2.000000000e+00, v45;
	s4 =	sor.u32 s28, s17;
	s18 =	smov.u32 s25;
	s25 =	sld [smem:$0x7DC]  }
0x2eb: {  	v4 =	vadd.f32 v4, v5;
	s17 =	smov.u32 s16;
	s16 =	sor.u32 s8, s30;
	[smem:$0x7E2] =	sst s3;
	v5 =	vadd.f32 v53, v6  }
0x2ec: {  	v45 =	vmul.f32 $1.442695020e+00, v45;
	v48 =	vld [tilespmem:s24+$0x0];
	s3 =	sor.u32 s23, s10;
	[smem:$0x7E8] =	sst s16;
	s10 =	sor.u32 s28, s9  }
0x2ed: {  	(erf) = vpow2.f32 v40;
	v49 =	vld [tilespmem:s31+$0x0];
	s9 =	sor.u32 s28, s30;
	s30 =	smov.u32 s19;
	s19 =	sld [smem:$0x7DA];
	v4 =	vadd.f32 v5, v4  }
0x2ee: {  	(erf) = vpow2.f32 v45;
	v53 =	vld [tilespmem:s0+$0x0];
	[smem:$0x7E4] =	sst s3  }
0x2ef: {  	s29 =	sor.u32 s28, s29;
	v0 =	vmul.f32 v0, v24;
	v9 =	vmul.f32 v59, v25;
	v59 =	vld [tilespmem:s20+$0x0];
	s20 =	sld [smem:$0x7DB];
	v41 =	vadd.f32 v4, v36  }
0x2f0: {  	s15 =	sor.u32 s23, s14;
	v7 =	vmul.f32 v56, v25;
	s3 =	sor.u32 s28, s14;
	s14 =	rddreg [dreg:$0x17];
	v43 =	vmul.f32 v58, v27;
	v58 =	vld [tilespmem:s29+$0x0]  }
0x2f1: {  	v5 =	vmul.f32 v52, v33;
	s16 =	smov.u32 s14;
	s14 =	sld [smem:$0x7DD];
	v10 =	vmul.f32 v10, v34;
	v60 =	vld [tilespmem:s19+$0x0];
	v62 =	vand.u32 $0x7FFFFFFF, v41  }
0x2f2: {  	v8 =	vmul.f32 v61, v27;
	s19 =	sld [smem:$0x7DE];
	v61 =	vld [tilespmem:s20+$0x0];
	v47 =	vmul.f32 $-2.000000000e+00, v62  }
0x2f3: {  	v0 =	vadd.f32 v9, v0;
	v9 =	vmul.f32 $-2.000000000e+00, v57;
	v5 =	vadd.f32 v10, v5;
	v10 =	vld [tilespmem:s25+$0x0]  }
0x2f4: {  	v44 =	vmul.f32 v63, v28;
	v63 =	vld [tilespmem:s14+$0x0];
	v47 =	vmul.f32 $1.442695020e+00, v47  }
0x2f5: {  	s21 =	sor.u32 s28, s21;
	v57 =	vmul.f32 v51, v31;
	s20 =	sld [smem:$0x7DF];
	v55 =	vmul.f32 v49, v30;
	v51 =	vld [tilespmem:s19+$0x0]  }
0x2f6: {  	s13 =	sor.u32 s28, s13;
	v50 =	vmul.f32 v59, v28;
	v59 =	vld [tilespmem:s21+$0x0];
	(erf) = vpow2.f32 v47  }
0x2f7: {  	v4 =	vmul.f32 v54, v24;
	v9 =	vmul.f32 $1.442695020e+00, v9;
	s21 =	sld [smem:$0x7E0];
	v6 =	vadd.f32 v57, v55;
	v55 =	vld [tilespmem:s13+$0x0]  }
0x2f8: {  	s24 =	rddreg [dreg:$0x11];
	v8 =	vadd.f32 v44, v8;
	v56 =	vld [tilespmem:s20+$0x0]  }
0x2f9: {  	v49 =	vld [tilespmem:s24+$0x0];
	v4 =	vadd.f32 v7, v4;
	v52 =	vmul.f32 v60, v30;
	(erf) = vpow2.f32 v9  }
0x2fa: {  	s25 =	rddreg [dreg:$0x13];
	v7 =	vadd.f32 v50, v43;
	v60 =	vmul.f32 v53, v25;
	v54 =	vmul.f32 v61, v31;
	v42 =	vld [tilespmem:s21+$0x0];
	v62 =	vpop (erf)  }
0x2fb: {  	s31 =	sor.u32 s23, s6;
	s6 =	sor.u32 s28, s6;
	s29 =	sld [smem:$0x7E1];
	v45 =	vld [tilespmem:s25+$0x0];
	v10 =	vmul.f32 v10, v33;
	v57 =	vmul.f32 v63, v34;
	v50 =	vsub.f32 $1.000000000e+00, v62  }
0x2fc: {  	[smem:$0x7E5] =	sst s6;
	v43 =	vadd.f32 v54, v52;
	v47 =	vmul.f32 v58, v30;
	v9 =	vmul.f32 v51, v24;
	v51 =	vld [tilespmem:s1+$0x0]  }
0x2fd: {  	v58 =	vadd.f32 $1.000000000e+00, v62;
	v54 =	vld [tilespmem:s31+$0x0];
	s31 =	sld [smem:$0x7E2];
	v46 =	vmul.f32 v55, v27;
	v61 =	vmul.f32 v56, v28  }
0x2fe: {  	v53 =	vpop (erf);
	v63 =	vmul.f32 v59, v31;
	v10 =	vadd.f32 v57, v10;
	s1 =	sld [smem:$0x7E3];
	v9 =	vadd.f32 v60, v9;
	v60 =	vld [tilespmem:s29+$0x0]  }
0x2ff: {  	s2 =	sor.u32 s28, s5;
	s6 =	sor.u32 s23, s5;
	s5 =	sld [smem:$0x7E4];
	v52 =	vadd.f32 v61, v46;
	v42 =	vmul.f32 v42, v33;
	v61 =	vmul.f32 v48, v34;
	v55 =	vpop (erf)  }
0x300: {  	s13 =	sld [smem:$0x7E5];
	v45 =	vmul.f32 v45, v29;
	v56 =	vadd.f32 v63, v47;
	v57 =	vld [tilespmem:s31+$0x0];
	v63 =	vadd.f32 $1.000000000e+00, v55  }
0x301: {  	s14 =	sld [smem:$0x7E6];
	v59 =	vadd.f32 v61, v42;
	v42 =	vmul.f32 v51, v32;
	(erf) = vrcp.f32 v58;
	v58 =	vld [tilespmem:s1+$0x0]  }
0x302: {  	v62 =	vmul.f32 v49, v26;
	v47 =	vadd.f32 $1.000000000e+00, v53;
	v51 =	vld [tilespmem:s5+$0x0];
	v44 =	vpop (erf);
	(erf) = vrcp.f32 v63  }
0x303: {  	s19 =	sld [smem:$0x7E7];
	v8 =	vadd.f32 v45, v8;
	v45 =	vmul.f32 v60, v35;
	v60 =	vld [tilespmem:s13+$0x0];
	v48 =	vadd.f32 v42, v6  }
0x304: {  	v42 =	vld [tilespmem:s14+$0x0];
	v40 =	vadd.f32 $1.000000000e+00, v44;
	(erf) = vrcp.f32 v47;
	v47 =	vmul.f32 v54, v26  }
0x305: {  	s20 =	rddreg [dreg:$0xc];
	v0 =	vadd.f32 v62, v0;
	v49 =	vadd.f32 v45, v5;
	v5 =	vmul.f32 v57, v29;
	v54 =	vld [tilespmem:s4+$0x0]  }
0x306: {  	s21 =	sld [smem:$0x7E8];
	v62 =	vld [tilespmem:s19+$0x0];
	(erf) = vrcp.f32 v40;
	v45 =	vadd.f32 v47, v4;
	v4 =	vmul.f32 v58, v32  }
0x307: {  	v63 =	vsub.f32 $1.000000000e+00, v53;
	v53 =	vld [tilespmem:s20+$0x0];
	v46 =	vadd.f32 v5, v7;
	v5 =	vmul.f32 v51, v35  }
0x308: {  	v7 =	vld [tilespmem:s26+$0x0];
	v47 =	vadd.f32 v4, v43;
	v4 =	vmul.f32 v60, v26  }
0x309: {  	s24 =	rddreg [dreg:$0x1f];
	v61 =	vld [tilespmem:s21+$0x0];
	v40 =	vsub.f32 $1.000000000e+00, v44;
	v43 =	vadd.f32 v5, v10;
	v5 =	vmul.f32 v42, v29  }
0x30a: {  	v58 =	vld [tilespmem:s24+$0x0];
	v10 =	vpop (erf);
	v42 =	vadd.f32 v4, v9;
	v4 =	vmul.f32 v54, v32;
	v9 =	vsub.f32 $1.000000000e+00, v55  }
.Ltmp3:
0x30b: {  	s25 =	rddreg [dreg:$0x9];
	v57 =	vld [tilespmem:s6+$0x0];
	v44 =	vadd.f32 v5, v52;
	v5 =	vmul.f32 v62, v35;
	v52 =	vmul.f32 v10, v50;
	v62 =	vpop (erf);
	(pc) =	sbr.rel @p1 .LBB2_5-.Ltmp3, $4  }
0x30c: {  	s29 =	rddreg [dreg:$0xa];
	v54 =	vld [tilespmem:s15+$0x0];
	v10 =	vmul.f32 v53, v20;
	v51 =	vadd.f32 v4, v56;
	v4 =	vmul.f32 v62, v9  }
0x30d: {  	s0 =	sadd.s32 s12, s25;
	s31 =	rddreg [dreg:$0xb];
	v7 =	vmul.f32 v7, v21;
	v55 =	vld [tilespmem:s11+$0x0];
	v53 =	vadd.f32 v5, v59;
	v5 =	vand.u32 $0x80000000, v41  }
0x30e: {  	s5 =	sadd.s32 s8, s0;
	s1 =	sadd.s32 $0x40, s31;
	s26 =	sadd.s32 s22, s0;
	v60 =	vmul.f32 v61, v22;
	v56 =	vld [tilespmem:s7+$0x0];
	v59 =	vadd.f32 v10, v0;
	v6 =	vpop (erf);
	v0 =	vor.u32 v4, v5  }
0x30f: {  	s6 =	sadd.s32 s23, s0;
	v61 =	vadd.f32 v7, v8;
	v62 =	vmul.f32 v58, v23;
	v58 =	vld [tilespmem:s3+$0x0];
	s3 =	sadd.s32 s28, s0;
	s0 =	sadd.s32 $0x200, s29;
	v50 =	vpop (erf);
	v41 =	vmul.f32 v6, v63;
	[tilespmem:s26+$0x0] =	vst v0  }
0x310: {  	v0 =	vld [tilespmem:s10+$0x0]  }
0x311: {  	v4 =	vld [tilespmem:s9+$0x0]  }
0x312: {  	v5 =	vadd.f32 v60, v48;
	v8 =	vld [tilespmem:s2+$0x0];
	v6 =	vmul.f32 v54, v20;
	v7 =	vadd.f32 v62, v49  }
0x313: {  	v57 =	vmul.f32 v57, v23;
	v9 =	vadd.f32 v61, v59;
	v10 =	vmul.f32 v55, v21  }
0x314: {  	v24 =	vmul.f32 v56, v22;
	v6 =	vadd.f32 v6, v45;
	v5 =	vadd.f32 v7, v5  }
0x315: {  	v7 =	vadd.f32 v57, v43;
	v10 =	vadd.f32 v10, v46  }
0x316: {  	v20 =	vmul.f32 v58, v20;
	v24 =	vadd.f32 v24, v47;
	v0 =	vmul.f32 v0, v21  }
0x317: {  	v4 =	vmul.f32 v4, v22;
	v8 =	vmul.f32 v8, v23;
	v6 =	vadd.f32 v10, v6  }
0x318: {  	v10 =	vadd.f32 v20, v42;
	v0 =	vadd.f32 v0, v44  }
0x319: {  	v4 =	vadd.f32 v4, v51;
	v8 =	vadd.f32 v8, v53  }
0x31a: {  	v5 =	vadd.f32 v5, v9;
	v7 =	vadd.f32 v7, v24  }
0x31b: {  	v0 =	vadd.f32 v0, v10;
	v4 =	vadd.f32 v8, v4  }
0x31c: {  	v6 =	vadd.f32 v7, v6  }
0x31d: {  	v5 =	vadd.f32 v5, v36;
	v0 =	vadd.f32 v4, v0  }
0x31e: {  	v4 =	vadd.f32 v6, v36  }
0x31f: {  	v58 =	vand.u32 $0x7FFFFFFF, v5;
	v0 =	vadd.f32 v0, v36  }
0x320: {  	v6 =	vmul.f32 $-2.000000000e+00, v58;
	v59 =	vand.u32 $0x7FFFFFFF, v4  }
0x321: {  	v7 =	vmul.f32 $-2.000000000e+00, v59;
	v8 =	vand.u32 $0x7FFFFFFF, v0  }
0x322: {  	v6 =	vmul.f32 $1.442695020e+00, v6;
	v8 =	vmul.f32 $-2.000000000e+00, v8  }
0x323: {  	v7 =	vmul.f32 $1.442695020e+00, v7  }
0x324: {  	(erf) = vpow2.f32 v6;
	v8 =	vmul.f32 $1.442695020e+00, v8  }
0x325: {  	(erf) = vpow2.f32 v7  }
0x326: {  	(erf) = vpow2.f32 v8;
	_ =	sdelay $0x6  }
0x327: {  	v6 =	vpop (erf)  }
0x328: {  	v60 =	vadd.f32 $1.000000000e+00, v6;
	v8 =	vpop (erf)  }
0x329: {  	v9 =	vadd.f32 $1.000000000e+00, v8;
	v10 =	vpop (erf)  }
0x32a: {  	(erf) = vrcp.f32 v60;
	v61 =	vadd.f32 $1.000000000e+00, v10  }
0x32b: {  	(erf) = vrcp.f32 v9  }
0x32c: {  	(erf) = vrcp.f32 v61;
	_ =	sdelay $0x4  }
0x32d: {  	v9 =	vor.u32 v52, v37  }
0x32e: {  	v6 =	vsub.f32 $1.000000000e+00, v6;
	[tilespmem:s30+$0x0] =	vst v9;
	v9 =	vor.u32 v41, v38  }
0x32f: {  	v62 =	vmul.f32 v50, v40;
	v8 =	vsub.f32 $1.000000000e+00, v8;
	v20 =	vpop (erf)  }
0x330: {  	v10 =	vsub.f32 $1.000000000e+00, v10;
	v6 =	vmul.f32 v20, v6;
	v20 =	vpop (erf)  }
.Ltmp4:
0x331: {  	v5 =	vand.u32 $0x80000000, v5;
	v7 =	vor.u32 v62, v39;
	[tilespmem:s18+$0x0] =	vst v9;
	v8 =	vmul.f32 v20, v8;
	v9 =	vpop (erf);
	(pc) =	sbr.rel @p0 .LBB2_8-.Ltmp4, $4  }
0x332: {  	v4 =	vand.u32 $0x80000000, v4;
	[tilespmem:s16+$0x0] =	vst v7;
	v5 =	vor.u32 v6, v5;
	v63 =	vmul.f32 v9, v10  }
0x333: {  	v0 =	vand.u32 $0x80000000, v0;
	[tilespmem:s5+$0x0] =	vst v5;
	v4 =	vor.u32 v8, v4  }
0x334: {  	[tilespmem:s6+$0x0] =	vst v4;
	v0 =	vor.u32 v63, v0  }
0x335: {  	[tilespmem:s3+$0x0] =	vst v0  }
0x336: {  	s0 =	sld [smem:$0x7F1];
	_ =	sdelay $0x2  }
0x337: {  	s0 =	sand.u32 $0x3FFFFF00, s0  }
0x338: {  	v0 =	vld [tilespmem:s0+$0x2180];
	_ =	sdelay $0x4  }
0x339: {  	v4 =	vshll.u32 v0, $0x3  }
0x33a: {  	v0 =	vand.u32 $0x7, v0;
	v4 =	vand.u32 $0xFFFFFFC0, v4  }
0x33b: {  	v0 =	vor.u32 v0, v4  }
0x33c: {  	v4 =	vperm.xlane v0, v1;
	_ =	sdelay $0x1  }
0x33d: {  	v4 =	vadd.s32 v2, v4;
	_ =	sdelay $0x2  }
0x33e: {  	s22 =	rddreg [dreg:$0x0]  }
0x33f: {  	s1 =	simm.s32 $0x0;
	s2 =	simm.s32 $0xA880;
	s23 =	sld [smem:$0x7F8]  }
0x340: {  	[tilespmem:s2], [sflag:$0x2] =	stream.indirect_vreg.gather [hbm4b:s22+s1], $0x80, v4, vm0, $0xb8;
	[tilespmem:$0x1E980] =	vst v63  }
0x341: {  	s3 =	simm.s32 $0xB080;
	s24 =	sld [smem:$0x7F9];
	v0 =	vperm.xlane v0, v3  }
0x342: {  	[tilespmem:s3], [sflag:$0x2] =	stream.indirect_vreg.gather [hbm4b:s23+s1], $0x80, v4, vm0, $0xb8;
	[tilespmem:$0x1E980] =	vst v63  }
0x343: {  	s4 =	simm.s32 $0xB880;
	s25 =	sld [smem:$0x7FA];
	v0 =	vadd.s32 v2, v0  }
0x344: {  	[tilespmem:s4], [sflag:$0x2] =	stream.indirect_vreg.gather [hbm4b:s24+s1], $0x80, v4, vm0, $0xb8;
	[tilespmem:$0x1E980] =	vst v63  }
0x345: {  	s5 =	simm.s32 $0xC080  }
0x346: {  	[tilespmem:s5], [sflag:$0x2] =	stream.indirect_vreg.gather [hbm4b:s25+s1], $0x80, v4, vm0, $0xb8;
	[tilespmem:$0x1E980] =	vst v63  }
0x347: {  	s26 =	simm.s32 $0xC880  }
0x348: {  	[tilespmem:s26], [sflag:$0x2] =	stream.indirect_vreg.gather [hbm4b:s22+s1], $0x80, v0, vm0, $0xb8;
	[tilespmem:$0x1E980] =	vst v63  }
0x349: {  	s28 =	simm.s32 $0xD080  }
0x34a: {  	[tilespmem:s28], [sflag:$0x2] =	stream.indirect_vreg.gather [hbm4b:s23+s1], $0x80, v0, vm0, $0xb8;
	[tilespmem:$0x1E980] =	vst v63  }
.Ltmp5:
0x34b: {  	s31 =	sld [smem:$0x7F0];
	(pc) =	sbr.rel .LBB2_2-.Ltmp5, $4  }
0x34c: {  	s29 =	simm.s32 $0xD880  }
0x34d: {  	[tilespmem:s29], [sflag:$0x2] =	stream.indirect_vreg.gather [hbm4b:s24+s1], $0x80, v0, vm0, $0xb8;
	[tilespmem:$0x1E980] =	vst v63  }
0x34e: {  	s30 =	simm.s32 $0xE080;
	s4 =	sadd.s32 $0x1, s31  }
0x34f: {  	[tilespmem:s30], [sflag:$0x2] =	stream.indirect_vreg.gather [hbm4b:s25+s1], $0x80, v0, vm0, $0xb8;
	[tilespmem:$0x1E980] =	vst v63  }
.LBB2_9:
0x350: {  	_ =	sfence.sel $0x180000  }
0x351: {  	[bflag:$0x0] =	sbarrier.arrive $0xFFFF  }
0x352: {  	_ =	strace $0x90000047  }
0x353: {  	s0 =	stileid.u32;
	[bflag:$0x2] =	sbarrier.arrive $0xFFFF  }
0x354: {  	p0 =	sne.s32 s0, $0x0;
	s0 =	rddreg [dreg:$0x7]  }
0x355: {  	s0 =	sadd.s32 @!p0 $0x100000, s0  }
0x356: {  	[sflag:s0] =	ssyncadd.tile.s32 @!p0 $0x1;
	_ =	shalt  }
.Lfunc_end2:
_tile_overlayer_lowered:
.L_overlay_start_2:
0x357: {  	(tag) =	ssettag $0x2  }
0x358: {  	s0 =	rddreg [dreg:$0x0];
	s2 =	stileid.u32  }
0x359: {  	s1 =	rddreg [dreg:$0x1];
	p0 =	sne.s32 s2, $0x0  }
0x35a: {  	s3 =	rddreg [dreg:$0x2];
	[bflag:$0x3] =	sbarrier.arrive $0xFFFF;
	s2 =	simm.s32 @!p0 $0x1C03  }
0x35b: {  	[timem:s3], [sflag:s2] =	dma.local @!p0 [hbm:s0], s1  }
0x35c: {  	s0 =	simm.s32 @!p0 $0x3  }
0x35d: {  	_ =	swait.ge @!p0 [sflag:s0], s1  }
0x35e: {  	s1 =	ssub.s32 @!p0 $0x0, s1;
	[sflag:s0] =	ssyncset.done @!p0 $0x0  }
0x35f: {  	[sflag:s0] =	ssyncadd.s32 @!p0 s1  }
0x360: {  	[bflag:$0x3] =	sbarrier.arrive $0xFFFF  }
0x361: {  	_ =	shalt  }

</sc_bundles>
